<compile_context>
chip_gen: v7x
topology: tpu7x:2x2x1
jax: 0.10.2.dev20260603
libtpu: 0.0.44.dev20260713+nightly
codegen_flags: <defaults>
</compile_context>

<pallas_src>
import functools

import jax
import jax.numpy as jnp
from jax import lax
from jax.experimental import pallas as pl
from jax.experimental.pallas import tpu as pltpu
from jax.experimental.pallas import tpu_sc as plsc

_TAU = 0.9

_NC = 2
_NS = 16
_L = 16
_NW = _NC * _NS
_ROWS = 128
_N = 8192
_RPW = _ROWS // _NW
_NV = _N // _L
_B1 = 1024
_MACB = _B1 // _L
_W = 11.5
_CAND = 32


def _make_sc_kernel():
    mesh = plsc.VectorSubcoreMesh(
        core_axis_name="c", subcore_axis_name="s",
        num_cores=_NC, num_subcores=_NS)

    @functools.partial(
        pl.kernel,
        out_type=jax.ShapeDtypeStruct((_ROWS, _N), jnp.float32),
        mesh=mesh,
        compiler_params=pltpu.CompilerParams(needs_layout_passes=False),
        scratch_types=[
            pltpu.VMEM((2 * _N,), jnp.float32),
            pltpu.VMEM((2 * _N,), jnp.float32),
            pltpu.SemaphoreType.DMA,
            pltpu.SemaphoreType.DMA,
            pltpu.VMEM((_B1 * _L,), jnp.float32),
            pltpu.VMEM((_L, _L), jnp.float32),
            pltpu.VMEM((_CAND * _L,), jnp.int32),
            pltpu.VMEM((2 * _L,), jnp.float32),
            pltpu.VMEM((2 * _L,), jnp.int32),
        ],
    )
    def sc_kernel(z_hbm, out_hbm, zrow, orow, sem_in, sem_out, hist,
                  coarse, cand_i, cand2v, cand2i):
        imin = jnp.int32(-2147483648)
        lane = lax.broadcasted_iota(jnp.int32, (_L,), 0)
        zeros = jnp.zeros((_L,), jnp.float32)
        izeros = jnp.zeros((_L,), jnp.int32)
        wid = lax.axis_index("s") * _NC + lax.axis_index("c")

        def in_copy(r):
            return pltpu.make_async_copy(
                z_hbm.at[wid * _RPW + r],
                zrow.at[pl.ds((r & 1) * _N, _N)], sem_in)

        def out_copy(r):
            return pltpu.make_async_copy(
                orow.at[pl.ds((r & 1) * _N, _N)],
                out_hbm.at[wid * _RPW + r], sem_out)

        in_copy(0).start()

        def do_row(r, carry):
            bo = (r & 1) * _N
            in_copy(r).wait()

            @pl.when(r + 1 < _RPW)
            def _prefetch():
                in_copy(r + 1).start()

            def zinit(i, c):
                for u in range(8):
                    hist[pl.ds(i * (8 * _L) + u * _L, _L)] = zeros
                return c
            lax.fori_loop(0, _B1 // 8, zinit, 0)

            def pmax(i, acc):
                b0 = bo + i * (4 * _L)
                a01 = jnp.maximum(zrow[pl.ds(b0, _L)],
                                  zrow[pl.ds(b0 + _L, _L)])
                a23 = jnp.maximum(zrow[pl.ds(b0 + 2 * _L, _L)],
                                  zrow[pl.ds(b0 + 3 * _L, _L)])
                return jnp.maximum(acc, jnp.maximum(a01, a23))
            vm = lax.fori_loop(0, _NV // 4, pmax,
                               jnp.full((_L,), -jnp.inf, jnp.float32))
            m = jnp.max(vm)
            lo = m - jnp.float32(_W)
            scale = jnp.float32(_B1 / _W)

            def czero(l, c):
                coarse[l] = zeros
                return c
            lax.fori_loop(0, _L, czero, 0)

            def p2(i, acc):
                a = acc
                for u in range(4):
                    zv = zrow[pl.ds(bo + i * (4 * _L) + u * _L, _L)]
                    ev = jnp.exp(zv - m)
                    b = jnp.clip(((zv - lo) * scale).astype(jnp.int32),
                                 0, _B1 - 1)
                    plsc.addupdate_scatter(hist, [b * _L + lane], ev)
                    plsc.addupdate_scatter(coarse, [lane, b >> 6], ev)
                    a = a + ev
                return a
            sv = lax.fori_loop(0, _NV // 4, p2, zeros)
            s = jnp.sum(sv)
            t = jnp.float32(_TAU) * s

            def ct(l, acc):
                return acc + coarse[l]
            tot = lax.fori_loop(0, _L, ct, zeros)
            pref = plsc.cumsum(tot)
            s_c = jnp.max(pref)
            suf = s_c - pref + tot
            cond = suf >= t
            mstar = jnp.max(jnp.where(cond, lane, -1))
            suf_at = jnp.sum(jnp.where(lane == mstar, suf, 0.0))
            tot_at = jnp.sum(jnp.where(lane == mstar, tot, 0.0))
            g_mac = suf_at - tot_at

            def chunk_tot(c):
                base = (mstar * _MACB + c * _L) * _L + lane * _L
                def gt(i, acc):
                    return acc + plsc.load_gather(hist, [base + i])
                return lax.fori_loop(0, _L, gt, zeros)

            def cscan(i, carry):
                g, bstar, g_ab, found = carry
                c = 3 - i
                t16 = chunk_tot(c)
                pref16 = plsc.cumsum(t16)
                ctot = jnp.max(pref16)
                suf16 = ctot - pref16 + t16
                cnd = (g + suf16) >= t
                bl = jnp.max(jnp.where(cnd, lane, -1))
                hit = jnp.logical_and(jnp.logical_not(found), bl >= 0)
                pref_at = jnp.sum(jnp.where(lane == bl, pref16, 0.0))
                bstar = jnp.where(hit, mstar * _MACB + c * _L + bl, bstar)
                g_ab = jnp.where(hit, g + (ctot - pref_at), g_ab)
                found = jnp.logical_or(found, hit)
                g = jnp.where(found, g, g + ctot)
                return g, bstar, g_ab, found
            _, bstar, g_ab, _ = lax.fori_loop(
                0, 4, cscan,
                (g_mac, jnp.int32(0), jnp.float32(0.0), False))

            def p3(i, cnt):
                c = cnt
                for u in range(4):
                    zv = zrow[pl.ds(bo + i * (4 * _L) + u * _L, _L)]
                    b = jnp.clip(((zv - lo) * scale).astype(jnp.int32),
                                 0, _B1 - 1)
                    msk = b == bstar
                    slot = jnp.minimum(c, _CAND - 1) * _L + lane
                    plsc.store_scatter(cand_i, [slot],
                                       (i * 4 + u) * _L + lane, mask=msk)
                    c = c + msk.astype(jnp.int32)
                return c
            cnt = lax.fori_loop(0, _NV // 4, p3, izeros)
            maxcnt = jnp.minimum(jnp.max(cnt), _CAND)

            lo2 = lo + bstar.astype(jnp.float32) * jnp.float32(_W / _B1)
            scale2 = jnp.float32(_L * _B1 / _W)

            def czero2(l, c):
                coarse[l] = zeros
                return c
            lax.fori_loop(0, _L, czero2, 0)

            def l2h(si, c):
                ii = cand_i[pl.ds(si * _L, _L)] & (_N - 1)
                vv = plsc.load_gather(zrow, [bo + ii])
                ee = jnp.exp(vv - m)
                valid = cnt > si
                b2 = jnp.clip(((vv - lo2) * scale2).astype(jnp.int32),
                              0, _L - 1)
                plsc.addupdate_scatter(coarse, [b2, lane], ee, mask=valid)
                return c
            lax.fori_loop(0, maxcnt, l2h, 0)

            def rt(i, acc):
                iv = jnp.full((_L,), i, jnp.int32)
                return acc + plsc.load_gather(coarse, [lane, iv])
            t16 = lax.fori_loop(0, _L, rt, zeros)

            pref16 = plsc.cumsum(t16)
            ctot2 = jnp.max(pref16)
            suf16 = ctot2 - pref16 + t16
            cnd2 = (g_ab + suf16) >= t
            b2s = jnp.max(jnp.where(cnd2, lane, 0))
            pref_at2 = jnp.sum(jnp.where(lane == b2s, pref16, 0.0))
            g2 = g_ab + (ctot2 - pref_at2)

            neginf = jnp.full((_L,), -jnp.inf, jnp.float32)
            big = jnp.full((_L,), 1 << 20, jnp.int32)
            cand2v[pl.ds(0, _L)] = neginf
            cand2v[pl.ds(_L, _L)] = neginf
            cand2i[pl.ds(0, _L)] = big
            cand2i[pl.ds(_L, _L)] = big

            def comp(si, off):
                ii = cand_i[pl.ds(si * _L, _L)] & (_N - 1)
                vv = plsc.load_gather(zrow, [bo + ii])
                valid = cnt > si
                b2 = jnp.clip(((vv - lo2) * scale2).astype(jnp.int32),
                              0, _L - 1)
                msk = jnp.logical_and(valid, b2 == b2s)
                mi = msk.astype(jnp.int32)
                rank = plsc.cumsum(mi) - mi
                pos = jnp.minimum(off + rank, 2 * _L - 1)
                plsc.store_scatter(cand2v, [pos], vv, mask=msk)
                plsc.store_scatter(cand2i, [pos], ii, mask=msk)
                return jnp.minimum(off + jnp.sum(mi), _L)
            off = lax.fori_loop(0, maxcnt, comp, jnp.int32(0))

            kv = cand2v[pl.ds(0, _L)]
            ki = cand2i[pl.ds(0, _L)]
            sk, sidx = plsc.sort_key_val(kv, ki, descending=True)
            ee_s = jnp.exp(sk - m)
            pcs = plsc.cumsum(ee_s)
            cond2 = (g2 + pcs) >= t
            p = jnp.min(jnp.where(cond2, lane, _L - 1))
            p = jnp.clip(jnp.minimum(p, off - 1), 0, _L - 1)
            vstar = jnp.sum(jnp.where(lane == p, sk, 0.0))
            g_gt = g2 + jnp.sum(jnp.where(lane == p, pcs - ee_s, 0.0))
            vstar_v = jnp.full((_L,), vstar, jnp.float32)
            estar_v = jnp.exp(vstar_v - m)
            x = jnp.max((t - g_gt) / estar_v)
            jt = x.astype(jnp.int32).astype(jnp.float32)
            jj = jt + (jt < x).astype(jnp.float32)

            eqm = sk == vstar
            keys2 = jnp.where(eqm, sidx, 1 << 20)
            sk2, _sv2 = plsc.sort_key_val(keys2, keys2, descending=False)
            jpos = jnp.clip(jj.astype(jnp.int32) - 1, 0, _L - 1)
            bound = jnp.sum(jnp.where(lane == jpos, sk2, 0))

            def pf(i, c):
                for u in range(4):
                    off2 = i * (4 * _L) + u * _L
                    zv = zrow[pl.ds(bo + off2, _L)]
                    idxv = (i * 4 + u) * _L + lane
                    keep = jnp.logical_or(
                        zv > vstar,
                        jnp.logical_and(zv == vstar, idxv <= bound))
                    orow[pl.ds(bo + off2, _L)] = jnp.where(
                        keep, jnp.maximum(zv, 0.0), 0.0)
                return c
            lax.fori_loop(0, _NV // 4, pf, 0)

            @pl.when(r >= 1)
            def _drain_prev():
                out_copy(r - 1).wait()

            out_copy(r).start()
            return carry

        lax.fori_loop(0, _RPW, do_row, 0)
        out_copy(_RPW - 1).wait()

    return sc_kernel


_sc_cache = []


@jax.jit
def kernel(z):
    if not _sc_cache:
        _sc_cache.append(_make_sc_kernel())
    return _sc_cache[0](z)

# --- scband reference (transcript-rebuilt; emitter-appended) ---
"""Pipeline reference for scband-adaptive-top-ksoftmax-68616397521271 (READ-ONLY COPY).

The authoritative reference and input builder live on the scoring server;
editing this copy changes nothing except your own understanding.
"""

import jax, jax.numpy as jnp
import numpy as np

TAU = 0.9

def setup_inputs(seed: int = 0) -> dict:
    key = jax.random.key(seed)
    z = jax.random.normal(key, (128, 8192), dtype=jnp.float32)
    return {"z": z}

def reference(z):
    # p = softmax(z)
    p = jax.nn.softmax(z, axis=-1)
    # sort descending: torch.sort(p, descending=True) -> (p_sorted, indices)
    order = jnp.argsort(-p, axis=-1)
    p_sorted = jnp.take_along_axis(p, order, axis=-1)
    # cdf and smallest k with cdf >= tau
    cdf = jnp.cumsum(p_sorted, axis=-1)
    k_per_sample = jnp.argmax((cdf >= TAU).astype(jnp.int32), axis=-1) + 1
    k_per_sample = jnp.clip(k_per_sample, 1, z.shape[-1])
    # ranks = argsort(indices): rank of each original position in the sorted order
    ranks = jnp.argsort(order, axis=-1)
    mask = (ranks < k_per_sample[:, None]).astype(z.dtype)
    mask = jax.lax.stop_gradient(mask)
    return jax.nn.relu(z) * mask

if __name__ == "__main__":
    import jax
    _d = setup_inputs()
    print(jax.jit(kernel)(*tuple(_d.values())))

</pallas_src>

<mosaic_0001>
#map = affine_map<(d0, d1) -> (0, 0)>
module attributes {stable_mosaic.version = 14 : i64} {
  func.func @sc_kernel(%arg0: i32, %arg1: i32, %arg2: memref<128x8192xf32, #tpu.memory_space<hbm>>, %arg3: memref<128x8192xf32, #tpu.memory_space<hbm>>, %arg4: memref<16384xf32, #tpu.memory_space<vmem>>, %arg5: memref<16384xf32, #tpu.memory_space<vmem>>, %arg6: memref<!tpu.dma_semaphore, #tpu.memory_space<semaphore_mem>>, %arg7: memref<!tpu.dma_semaphore, #tpu.memory_space<semaphore_mem>>, %arg8: memref<16384xf32, #tpu.memory_space<vmem>>, %arg9: memref<16x16xf32, #tpu.memory_space<vmem>>, %arg10: memref<512xi32, #tpu.memory_space<vmem>>, %arg11: memref<32xf32, #tpu.memory_space<vmem>>, %arg12: memref<32xi32, #tpu.memory_space<vmem>>) attributes {dimension_semantics = [#tpu.dimension_semantics<core_parallel>, #tpu.dimension_semantics<subcore_parallel>], iteration_bounds = array<i64: 2, 16>, scalar_prefetch = 0 : i64, scratch_operands = 9 : i64, tpu.core_type = #tpu.core_type<sc_vector_subcore>, window_params = [{transform_indices = #map}, {transform_indices = #map}]} {
    %iota3A = tpu.iota {dimensions = array<i32: 0>} : vector<16xi32>
    %broadcast_in_dim3A = arith.constant 0.000000e+00 : f32
    %broadcast_in_dim3A_0 = vector.broadcast %broadcast_in_dim3A : f32 to vector<16xf32>
    %broadcast_in_dim3A_1 = arith.constant 0 : i32
    %broadcast_in_dim3A_2 = vector.broadcast %broadcast_in_dim3A_1 : i32 to vector<16xi32>
    %mul3A = arith.constant 2 : i32
    %mul3A_3 = arith.muli %arg1, %mul3A : i32
    %add3A = arith.addi %mul3A_3, %arg0 : i32
    %mul3A_4 = arith.constant 4 : i32
    %mul3A_5 = arith.muli %add3A, %mul3A_4 : i32
    %add3A_6 = arith.constant 0 : i32
    %add3A_7 = arith.addi %mul3A_5, %add3A_6 : i32
    %dma_start3A = arith.constant 0 : i32
    %dma_start3A_8 = tpu.memref_slice %arg4[%dma_start3A] : memref<16384xf32, #tpu.memory_space<vmem>> -> memref<8192xf32, #tpu.memory_space<vmem>>
    %dma_start3A_9 = arith.constant 0 : i32
    %dma_start3A_10 = tpu.memref_slice %arg2[%add3A_7, %dma_start3A_9] : memref<128x8192xf32, #tpu.memory_space<hbm>> -> memref<1x8192xf32, #tpu.memory_space<hbm>>
    %dma_start3A_11 = tpu.memref_squeeze %dma_start3A_10 : memref<1x8192xf32, #tpu.memory_space<hbm>> -> memref<8192xf32, #tpu.memory_space<hbm>>
    %dma_start3A_12 = arith.constant 0 : i32
    %dma_start3A_13 = tpu.memref_slice %arg4[%dma_start3A_12] : memref<16384xf32, #tpu.memory_space<vmem>> -> memref<8192xf32, #tpu.memory_space<vmem>>
    %dma_start3A_14 = arith.constant 0 : i32
    %dma_start3A_15 = tpu.memref_slice %arg2[%add3A_7, %dma_start3A_14] : memref<128x8192xf32, #tpu.memory_space<hbm>> -> memref<1x8192xf32, #tpu.memory_space<hbm>>
    %dma_start3A_16 = tpu.memref_squeeze %dma_start3A_15 : memref<1x8192xf32, #tpu.memory_space<hbm>> -> memref<8192xf32, #tpu.memory_space<hbm>>
    tpu.enqueue_dma source(%dma_start3A_16 : memref<8192xf32, #tpu.memory_space<hbm>>) target(%dma_start3A_13 : memref<8192xf32, #tpu.memory_space<vmem>>) target_semaphore(%arg6 : memref<!tpu.dma_semaphore, #tpu.memory_space<semaphore_mem>>)
    %scan3A = arith.constant 0 : i32
    %scan3A_17 = arith.constant 0 : i32
    %scan3A_18 = arith.constant 4 : i32
    %scan3A_19 = arith.addi %scan3A_17, %scan3A_18 : i32
    %scan3A_20 = arith.constant 1 : i32
    scf.for %scan3A_35 = %scan3A_17 to %scan3A_19 step %scan3A_20  : i32 {
      %and3A = arith.constant 1 : i32
      %and3A_36 = arith.andi %scan3A_35, %and3A : i32
      %mul3A_37 = arith.constant 8192 : i32
      %mul3A_38 = arith.muli %and3A_36, %mul3A_37 : i32
      %mul3A_39 = arith.constant 4 : i32
      %mul3A_40 = arith.muli %add3A, %mul3A_39 : i32
      %add3A_41 = arith.addi %mul3A_40, %scan3A_35 : i32
      %and3A_42 = arith.constant 1 : i32
      %and3A_43 = arith.andi %scan3A_35, %and3A_42 : i32
      %mul3A_44 = arith.constant 8192 : i32
      %mul3A_45 = arith.muli %and3A_43, %mul3A_44 : i32
      %dma_wait3A_46 = tpu.memref_slice %arg4[%mul3A_45] : memref<16384xf32, #tpu.memory_space<vmem>> -> memref<8192xf32, #tpu.memory_space<vmem>>
      %dma_wait3A_47 = arith.constant 0 : i32
      %dma_wait3A_48 = tpu.memref_slice %arg2[%add3A_41, %dma_wait3A_47] : memref<128x8192xf32, #tpu.memory_space<hbm>> -> memref<1x8192xf32, #tpu.memory_space<hbm>>
      %dma_wait3A_49 = tpu.memref_squeeze %dma_wait3A_48 : memref<1x8192xf32, #tpu.memory_space<hbm>> -> memref<8192xf32, #tpu.memory_space<hbm>>
      %dma_wait3A_50 = tpu.memref_slice %arg4[%mul3A_45] : memref<16384xf32, #tpu.memory_space<vmem>> -> memref<8192xf32, #tpu.memory_space<vmem>>
      %dma_wait3A_51 = arith.constant 0 : i32
      %dma_wait3A_52 = tpu.memref_slice %arg2[%add3A_41, %dma_wait3A_51] : memref<128x8192xf32, #tpu.memory_space<hbm>> -> memref<1x8192xf32, #tpu.memory_space<hbm>>
      %dma_wait3A_53 = tpu.memref_squeeze %dma_wait3A_52 : memref<1x8192xf32, #tpu.memory_space<hbm>> -> memref<8192xf32, #tpu.memory_space<hbm>>
      tpu.wait_dma2 semaphore(%arg6 : memref<!tpu.dma_semaphore, #tpu.memory_space<semaphore_mem>>) src(%dma_wait3A_53 : memref<8192xf32, #tpu.memory_space<hbm>>) dst(%dma_wait3A_50 : memref<8192xf32, #tpu.memory_space<vmem>>)
      %add3A_54 = arith.constant 1 : i32
      %add3A_55 = arith.addi %scan3A_35, %add3A_54 : i32
      %lt3A = arith.constant 4 : i32
      %lt3A_56 = arith.cmpi slt, %add3A_55, %lt3A : i32
      %convert_element_type3A = arith.extui %lt3A_56 : i1 to i32
      %cond3A = arith.constant 0 : i32
      %cond3A_57 = arith.cmpi ne, %convert_element_type3A, %cond3A : i32
      scf.if %cond3A_57 {
        %add3A_370 = arith.constant 1 : i32
        %add3A_371 = arith.addi %scan3A_35, %add3A_370 : i32
        %mul3A_372 = arith.constant 4 : i32
        %mul3A_373 = arith.muli %add3A, %mul3A_372 : i32
        %add3A_374 = arith.addi %mul3A_373, %add3A_371 : i32
        %and3A_375 = arith.constant 1 : i32
        %and3A_376 = arith.andi %add3A_371, %and3A_375 : i32
        %mul3A_377 = arith.constant 8192 : i32
        %mul3A_378 = arith.muli %and3A_376, %mul3A_377 : i32
        %dma_start3A_379 = tpu.memref_slice %arg4[%mul3A_378] : memref<16384xf32, #tpu.memory_space<vmem>> -> memref<8192xf32, #tpu.memory_space<vmem>>
        %dma_start3A_380 = arith.constant 0 : i32
        %dma_start3A_381 = tpu.memref_slice %arg2[%add3A_374, %dma_start3A_380] : memref<128x8192xf32, #tpu.memory_space<hbm>> -> memref<1x8192xf32, #tpu.memory_space<hbm>>
        %dma_start3A_382 = tpu.memref_squeeze %dma_start3A_381 : memref<1x8192xf32, #tpu.memory_space<hbm>> -> memref<8192xf32, #tpu.memory_space<hbm>>
        %dma_start3A_383 = tpu.memref_slice %arg4[%mul3A_378] : memref<16384xf32, #tpu.memory_space<vmem>> -> memref<8192xf32, #tpu.memory_space<vmem>>
        %dma_start3A_384 = arith.constant 0 : i32
        %dma_start3A_385 = tpu.memref_slice %arg2[%add3A_374, %dma_start3A_384] : memref<128x8192xf32, #tpu.memory_space<hbm>> -> memref<1x8192xf32, #tpu.memory_space<hbm>>
        %dma_start3A_386 = tpu.memref_squeeze %dma_start3A_385 : memref<1x8192xf32, #tpu.memory_space<hbm>> -> memref<8192xf32, #tpu.memory_space<hbm>>
        tpu.enqueue_dma source(%dma_start3A_386 : memref<8192xf32, #tpu.memory_space<hbm>>) target(%dma_start3A_383 : memref<8192xf32, #tpu.memory_space<vmem>>) target_semaphore(%arg6 : memref<!tpu.dma_semaphore, #tpu.memory_space<semaphore_mem>>)
      } else {
      }
      %scan3A_58 = arith.constant 0 : i32
      %scan3A_59 = arith.constant 0 : i32
      %scan3A_60 = arith.constant 128 : i32
      %scan3A_61 = arith.addi %scan3A_59, %scan3A_60 : i32
      %scan3A_62 = arith.constant 1 : i32
      scf.for %scan3A_370 = %scan3A_59 to %scan3A_61 step %scan3A_62  : i32 {
        %mul3A_371 = arith.constant 128 : i32
        %mul3A_372 = arith.muli %scan3A_370, %mul3A_371 : i32
        %add3A_373 = arith.constant 0 : i32
        %add3A_374 = arith.addi %mul3A_372, %add3A_373 : i32
        %swap3A_375 = arith.index_cast %add3A_374 : i32 to index
        %swap3A_376 = tpu.vector_load %arg8[%swap3A_375] {strides = array<i32>} : memref<16384xf32, #tpu.memory_space<vmem>>, vector<16xf32>,
        tpu.vector_store %arg8[%swap3A_375], %broadcast_in_dim3A_0 {strides = array<i32>} : memref<16384xf32, #tpu.memory_space<vmem>>, vector<16xf32>,
        %mul3A_377 = arith.constant 128 : i32
        %mul3A_378 = arith.muli %scan3A_370, %mul3A_377 : i32
        %add3A_379 = arith.constant 16 : i32
        %add3A_380 = arith.addi %mul3A_378, %add3A_379 : i32
        %swap3A_381 = arith.index_cast %add3A_380 : i32 to index
        %swap3A_382 = tpu.vector_load %arg8[%swap3A_381] {strides = array<i32>} : memref<16384xf32, #tpu.memory_space<vmem>>, vector<16xf32>,
        tpu.vector_store %arg8[%swap3A_381], %broadcast_in_dim3A_0 {strides = array<i32>} : memref<16384xf32, #tpu.memory_space<vmem>>, vector<16xf32>,
        %mul3A_383 = arith.constant 128 : i32
        %mul3A_384 = arith.muli %scan3A_370, %mul3A_383 : i32
        %add3A_385 = arith.constant 32 : i32
        %add3A_386 = arith.addi %mul3A_384, %add3A_385 : i32
        %swap3A_387 = arith.index_cast %add3A_386 : i32 to index
        %swap3A_388 = tpu.vector_load %arg8[%swap3A_387] {strides = array<i32>} : memref<16384xf32, #tpu.memory_space<vmem>>, vector<16xf32>,
        tpu.vector_store %arg8[%swap3A_387], %broadcast_in_dim3A_0 {strides = array<i32>} : memref<16384xf32, #tpu.memory_space<vmem>>, vector<16xf32>,
        %mul3A_389 = arith.constant 128 : i32
        %mul3A_390 = arith.muli %scan3A_370, %mul3A_389 : i32
        %add3A_391 = arith.constant 48 : i32
        %add3A_392 = arith.addi %mul3A_390, %add3A_391 : i32
        %swap3A_393 = arith.index_cast %add3A_392 : i32 to index
        %swap3A_394 = tpu.vector_load %arg8[%swap3A_393] {strides = array<i32>} : memref<16384xf32, #tpu.memory_space<vmem>>, vector<16xf32>,
        tpu.vector_store %arg8[%swap3A_393], %broadcast_in_dim3A_0 {strides = array<i32>} : memref<16384xf32, #tpu.memory_space<vmem>>, vector<16xf32>,
        %mul3A_395 = arith.constant 128 : i32
        %mul3A_396 = arith.muli %scan3A_370, %mul3A_395 : i32
        %add3A_397 = arith.constant 64 : i32
        %add3A_398 = arith.addi %mul3A_396, %add3A_397 : i32
        %swap3A_399 = arith.index_cast %add3A_398 : i32 to index
        %swap3A_400 = tpu.vector_load %arg8[%swap3A_399] {strides = array<i32>} : memref<16384xf32, #tpu.memory_space<vmem>>, vector<16xf32>,
        tpu.vector_store %arg8[%swap3A_399], %broadcast_in_dim3A_0 {strides = array<i32>} : memref<16384xf32, #tpu.memory_space<vmem>>, vector<16xf32>,
        %mul3A_401 = arith.constant 128 : i32
        %mul3A_402 = arith.muli %scan3A_370, %mul3A_401 : i32
        %add3A_403 = arith.constant 80 : i32
        %add3A_404 = arith.addi %mul3A_402, %add3A_403 : i32
        %swap3A_405 = arith.index_cast %add3A_404 : i32 to index
        %swap3A_406 = tpu.vector_load %arg8[%swap3A_405] {strides = array<i32>} : memref<16384xf32, #tpu.memory_space<vmem>>, vector<16xf32>,
        tpu.vector_store %arg8[%swap3A_405], %broadcast_in_dim3A_0 {strides = array<i32>} : memref<16384xf32, #tpu.memory_space<vmem>>, vector<16xf32>,
        %mul3A_407 = arith.constant 128 : i32
        %mul3A_408 = arith.muli %scan3A_370, %mul3A_407 : i32
        %add3A_409 = arith.constant 96 : i32
        %add3A_410 = arith.addi %mul3A_408, %add3A_409 : i32
        %swap3A_411 = arith.index_cast %add3A_410 : i32 to index
        %swap3A_412 = tpu.vector_load %arg8[%swap3A_411] {strides = array<i32>} : memref<16384xf32, #tpu.memory_space<vmem>>, vector<16xf32>,
        tpu.vector_store %arg8[%swap3A_411], %broadcast_in_dim3A_0 {strides = array<i32>} : memref<16384xf32, #tpu.memory_space<vmem>>, vector<16xf32>,
        %mul3A_413 = arith.constant 128 : i32
        %mul3A_414 = arith.muli %scan3A_370, %mul3A_413 : i32
        %add3A_415 = arith.constant 112 : i32
        %add3A_416 = arith.addi %mul3A_414, %add3A_415 : i32
        %swap3A_417 = arith.index_cast %add3A_416 : i32 to index
        %swap3A_418 = tpu.vector_load %arg8[%swap3A_417] {strides = array<i32>} : memref<16384xf32, #tpu.memory_space<vmem>>, vector<16xf32>,
        tpu.vector_store %arg8[%swap3A_417], %broadcast_in_dim3A_0 {strides = array<i32>} : memref<16384xf32, #tpu.memory_space<vmem>>, vector<16xf32>,
      }
      %scan3A_63 = arith.constant 128 : i32
      %broadcast_in_dim3A_64 = arith.constant 0xFF800000 : f32
      %broadcast_in_dim3A_65 = vector.broadcast %broadcast_in_dim3A_64 : f32 to vector<16xf32>
      %scan3A_66 = arith.constant 0 : i32
      %scan3A_67 = arith.constant 128 : i32
      %scan3A_68 = arith.addi %scan3A_66, %scan3A_67 : i32
      %scan3A_69 = arith.constant 1 : i32
      %scan3A_70 = scf.for %scan3A_370 = %scan3A_66 to %scan3A_68 step %scan3A_69 iter_args(%scan3A_371 = %broadcast_in_dim3A_65) -> (vector<16xf32>)  : i32 {
        %mul3A_372 = arith.constant 64 : i32
        %mul3A_373 = arith.muli %scan3A_370, %mul3A_372 : i32
        %add3A_374 = arith.addi %mul3A_38, %mul3A_373 : i32
        %get3A_375 = arith.index_cast %add3A_374 : i32 to index
        %get3A_376 = tpu.vector_load %arg4[%get3A_375] {strides = array<i32>} : memref<16384xf32, #tpu.memory_space<vmem>>, vector<16xf32>,
        %add3A_377 = arith.constant 16 : i32
        %add3A_378 = arith.addi %add3A_374, %add3A_377 : i32
        %get3A_379 = arith.index_cast %add3A_378 : i32 to index
        %get3A_380 = tpu.vector_load %arg4[%get3A_379] {strides = array<i32>} : memref<16384xf32, #tpu.memory_space<vmem>>, vector<16xf32>,
        %max3A_381 = arith.maximumf %get3A_376, %get3A_380 : vector<16xf32>
        %add3A_382 = arith.constant 32 : i32
        %add3A_383 = arith.addi %add3A_374, %add3A_382 : i32
        %get3A_384 = arith.index_cast %add3A_383 : i32 to index
        %get3A_385 = tpu.vector_load %arg4[%get3A_384] {strides = array<i32>} : memref<16384xf32, #tpu.memory_space<vmem>>, vector<16xf32>,
        %add3A_386 = arith.constant 48 : i32
        %add3A_387 = arith.addi %add3A_374, %add3A_386 : i32
        %get3A_388 = arith.index_cast %add3A_387 : i32 to index
        %get3A_389 = tpu.vector_load %arg4[%get3A_388] {strides = array<i32>} : memref<16384xf32, #tpu.memory_space<vmem>>, vector<16xf32>,
        %max3A_390 = arith.maximumf %get3A_385, %get3A_389 : vector<16xf32>
        %max3A_391 = arith.maximumf %max3A_381, %max3A_390 : vector<16xf32>
        %max3A_392 = arith.maximumf %scan3A_371, %max3A_391 : vector<16xf32>
        scf.yield %max3A_392 : vector<16xf32>
      }
      %scan3A_71 = arith.constant 128 : i32
      %reduce_max3A = arith.constant true
      %reduce_max3A_72 = vector.broadcast %reduce_max3A : i1 to vector<16xi1>
      %reduce_max3A_73 = tpu.scan <max>, %scan3A_70 masked %reduce_max3A_72 : vector<16xf32>, vector<16xi1> -> vector<16xf32>
      %reduce_max3A_74 = vector.extract %reduce_max3A_73[15] : f32 from vector<16xf32>
      %sub3A = arith.constant 1.150000e+01 : f32
      %sub3A_75 = arith.subf %reduce_max3A_74, %sub3A : f32
      %scan3A_76 = arith.constant 0 : i32
      %scan3A_77 = arith.constant 0 : i32
      %scan3A_78 = arith.constant 16 : i32
      %scan3A_79 = arith.addi %scan3A_77, %scan3A_78 : i32
      %scan3A_80 = arith.constant 1 : i32
      scf.for %scan3A_370 = %scan3A_77 to %scan3A_79 step %scan3A_80  : i32 {
        %swap3A_371 = arith.index_cast %scan3A_370 : i32 to index
        %swap3A_372 = arith.constant 0 : index
        %swap3A_373 = tpu.vector_load %arg9[%swap3A_371, %swap3A_372] {strides = array<i32>} : memref<16x16xf32, #tpu.memory_space<vmem>>, vector<16xf32>,
        tpu.vector_store %arg9[%swap3A_371, %swap3A_372], %broadcast_in_dim3A_0 {strides = array<i32>} : memref<16x16xf32, #tpu.memory_space<vmem>>, vector<16xf32>,
      }
      %scan3A_81 = arith.constant 16 : i32
      %scan3A_82 = arith.constant 89.0434799 : f32
      %scan3A_83 = arith.constant 0 : i32
      %scan3A_84 = arith.constant 128 : i32
      %scan3A_85 = arith.addi %scan3A_83, %scan3A_84 : i32
      %scan3A_86 = arith.constant 1 : i32
      %scan3A_87 = scf.for %scan3A_370 = %scan3A_83 to %scan3A_85 step %scan3A_86 iter_args(%scan3A_371 = %broadcast_in_dim3A_0) -> (vector<16xf32>)  : i32 {
        %mul3A_372 = arith.constant 64 : i32
        %mul3A_373 = arith.muli %scan3A_370, %mul3A_372 : i32
        %add3A_374 = arith.addi %mul3A_38, %mul3A_373 : i32
        %add3A_375 = arith.constant 0 : i32
        %add3A_376 = arith.addi %add3A_374, %add3A_375 : i32
        %get3A_377 = arith.index_cast %add3A_376 : i32 to index
        %get3A_378 = tpu.vector_load %arg4[%get3A_377] {strides = array<i32>} : memref<16384xf32, #tpu.memory_space<vmem>>, vector<16xf32>,
        %sub3A_379 = vector.broadcast %reduce_max3A_74 : f32 to vector<16xf32>
        %sub3A_380 = arith.subf %get3A_378, %sub3A_379 : vector<16xf32>
        %exp3A_381 = math.exp %sub3A_380 : vector<16xf32>
        %sub3A_382 = vector.broadcast %sub3A_75 : f32 to vector<16xf32>
        %sub3A_383 = arith.subf %get3A_378, %sub3A_382 : vector<16xf32>
        %mul3A_384 = vector.broadcast %scan3A_82 : f32 to vector<16xf32>
        %mul3A_385 = arith.mulf %sub3A_383, %mul3A_384 : vector<16xf32>
        %convert_element_type3A_386 = arith.fptosi %mul3A_385 : vector<16xf32> to vector<16xi32>
        %jit3A_387 = arith.constant 0 : i32
        %jit3A_388 = arith.constant 1023 : i32
        %max3A_389 = vector.broadcast %jit3A_387 : i32 to vector<16xi32>
        %max3A_390 = arith.maxsi %max3A_389, %convert_element_type3A_386 : vector<16xi32>
        %min3A_391 = vector.broadcast %jit3A_388 : i32 to vector<16xi32>
        %min3A_392 = arith.minsi %min3A_391, %max3A_390 : vector<16xi32>
        %mul3A_393 = arith.constant 16 : i32
        %mul3A_394 = vector.broadcast %mul3A_393 : i32 to vector<16xi32>
        %mul3A_395 = arith.muli %min3A_392, %mul3A_394 : vector<16xi32>
        %add3A_396 = arith.addi %mul3A_395, %iota3A : vector<16xi32>
        tpu.vector_store_idx %arg8[%add3A_396], %exp3A_381 {add = true} : memref<16384xf32, #tpu.memory_space<vmem>>[vector<16xi32>], vector<16xf32>,
        %shift_right_arithmetic3A = arith.constant 6 : i32
        %shift_right_arithmetic3A_397 = vector.broadcast %shift_right_arithmetic3A : i32 to vector<16xi32>
        %shift_right_arithmetic3A_398 = arith.shrsi %min3A_392, %shift_right_arithmetic3A_397 : vector<16xi32>
        tpu.vector_store_idx %arg9[%iota3A, %shift_right_arithmetic3A_398], %exp3A_381 {add = true} : memref<16x16xf32, #tpu.memory_space<vmem>>[vector<16xi32>, vector<16xi32>], vector<16xf32>,
        %add3A_399 = arith.addf %scan3A_371, %exp3A_381 : vector<16xf32>
        %mul3A_400 = arith.constant 64 : i32
        %mul3A_401 = arith.muli %scan3A_370, %mul3A_400 : i32
        %add3A_402 = arith.addi %mul3A_38, %mul3A_401 : i32
        %add3A_403 = arith.constant 16 : i32
        %add3A_404 = arith.addi %add3A_402, %add3A_403 : i32
        %get3A_405 = arith.index_cast %add3A_404 : i32 to index
        %get3A_406 = tpu.vector_load %arg4[%get3A_405] {strides = array<i32>} : memref<16384xf32, #tpu.memory_space<vmem>>, vector<16xf32>,
        %sub3A_407 = vector.broadcast %reduce_max3A_74 : f32 to vector<16xf32>
        %sub3A_408 = arith.subf %get3A_406, %sub3A_407 : vector<16xf32>
        %exp3A_409 = math.exp %sub3A_408 : vector<16xf32>
        %sub3A_410 = vector.broadcast %sub3A_75 : f32 to vector<16xf32>
        %sub3A_411 = arith.subf %get3A_406, %sub3A_410 : vector<16xf32>
        %mul3A_412 = vector.broadcast %scan3A_82 : f32 to vector<16xf32>
        %mul3A_413 = arith.mulf %sub3A_411, %mul3A_412 : vector<16xf32>
        %convert_element_type3A_414 = arith.fptosi %mul3A_413 : vector<16xf32> to vector<16xi32>
        %jit3A_415 = arith.constant 0 : i32
        %jit3A_416 = arith.constant 1023 : i32
        %max3A_417 = vector.broadcast %jit3A_415 : i32 to vector<16xi32>
        %max3A_418 = arith.maxsi %max3A_417, %convert_element_type3A_414 : vector<16xi32>
        %min3A_419 = vector.broadcast %jit3A_416 : i32 to vector<16xi32>
        %min3A_420 = arith.minsi %min3A_419, %max3A_418 : vector<16xi32>
        %mul3A_421 = arith.constant 16 : i32
        %mul3A_422 = vector.broadcast %mul3A_421 : i32 to vector<16xi32>
        %mul3A_423 = arith.muli %min3A_420, %mul3A_422 : vector<16xi32>
        %add3A_424 = arith.addi %mul3A_423, %iota3A : vector<16xi32>
        tpu.vector_store_idx %arg8[%add3A_424], %exp3A_409 {add = true} : memref<16384xf32, #tpu.memory_space<vmem>>[vector<16xi32>], vector<16xf32>,
        %shift_right_arithmetic3A_425 = arith.constant 6 : i32
        %shift_right_arithmetic3A_426 = vector.broadcast %shift_right_arithmetic3A_425 : i32 to vector<16xi32>
        %shift_right_arithmetic3A_427 = arith.shrsi %min3A_420, %shift_right_arithmetic3A_426 : vector<16xi32>
        tpu.vector_store_idx %arg9[%iota3A, %shift_right_arithmetic3A_427], %exp3A_409 {add = true} : memref<16x16xf32, #tpu.memory_space<vmem>>[vector<16xi32>, vector<16xi32>], vector<16xf32>,
        %add3A_428 = arith.addf %add3A_399, %exp3A_409 : vector<16xf32>
        %mul3A_429 = arith.constant 64 : i32
        %mul3A_430 = arith.muli %scan3A_370, %mul3A_429 : i32
        %add3A_431 = arith.addi %mul3A_38, %mul3A_430 : i32
        %add3A_432 = arith.constant 32 : i32
        %add3A_433 = arith.addi %add3A_431, %add3A_432 : i32
        %get3A_434 = arith.index_cast %add3A_433 : i32 to index
        %get3A_435 = tpu.vector_load %arg4[%get3A_434] {strides = array<i32>} : memref<16384xf32, #tpu.memory_space<vmem>>, vector<16xf32>,
        %sub3A_436 = vector.broadcast %reduce_max3A_74 : f32 to vector<16xf32>
        %sub3A_437 = arith.subf %get3A_435, %sub3A_436 : vector<16xf32>
        %exp3A_438 = math.exp %sub3A_437 : vector<16xf32>
        %sub3A_439 = vector.broadcast %sub3A_75 : f32 to vector<16xf32>
        %sub3A_440 = arith.subf %get3A_435, %sub3A_439 : vector<16xf32>
        %mul3A_441 = vector.broadcast %scan3A_82 : f32 to vector<16xf32>
        %mul3A_442 = arith.mulf %sub3A_440, %mul3A_441 : vector<16xf32>
        %convert_element_type3A_443 = arith.fptosi %mul3A_442 : vector<16xf32> to vector<16xi32>
        %jit3A_444 = arith.constant 0 : i32
        %jit3A_445 = arith.constant 1023 : i32
        %max3A_446 = vector.broadcast %jit3A_444 : i32 to vector<16xi32>
        %max3A_447 = arith.maxsi %max3A_446, %convert_element_type3A_443 : vector<16xi32>
        %min3A_448 = vector.broadcast %jit3A_445 : i32 to vector<16xi32>
        %min3A_449 = arith.minsi %min3A_448, %max3A_447 : vector<16xi32>
        %mul3A_450 = arith.constant 16 : i32
        %mul3A_451 = vector.broadcast %mul3A_450 : i32 to vector<16xi32>
        %mul3A_452 = arith.muli %min3A_449, %mul3A_451 : vector<16xi32>
        %add3A_453 = arith.addi %mul3A_452, %iota3A : vector<16xi32>
        tpu.vector_store_idx %arg8[%add3A_453], %exp3A_438 {add = true} : memref<16384xf32, #tpu.memory_space<vmem>>[vector<16xi32>], vector<16xf32>,
        %shift_right_arithmetic3A_454 = arith.constant 6 : i32
        %shift_right_arithmetic3A_455 = vector.broadcast %shift_right_arithmetic3A_454 : i32 to vector<16xi32>
        %shift_right_arithmetic3A_456 = arith.shrsi %min3A_449, %shift_right_arithmetic3A_455 : vector<16xi32>
        tpu.vector_store_idx %arg9[%iota3A, %shift_right_arithmetic3A_456], %exp3A_438 {add = true} : memref<16x16xf32, #tpu.memory_space<vmem>>[vector<16xi32>, vector<16xi32>], vector<16xf32>,
        %add3A_457 = arith.addf %add3A_428, %exp3A_438 : vector<16xf32>
        %mul3A_458 = arith.constant 64 : i32
        %mul3A_459 = arith.muli %scan3A_370, %mul3A_458 : i32
        %add3A_460 = arith.addi %mul3A_38, %mul3A_459 : i32
        %add3A_461 = arith.constant 48 : i32
        %add3A_462 = arith.addi %add3A_460, %add3A_461 : i32
        %get3A_463 = arith.index_cast %add3A_462 : i32 to index
        %get3A_464 = tpu.vector_load %arg4[%get3A_463] {strides = array<i32>} : memref<16384xf32, #tpu.memory_space<vmem>>, vector<16xf32>,
        %sub3A_465 = vector.broadcast %reduce_max3A_74 : f32 to vector<16xf32>
        %sub3A_466 = arith.subf %get3A_464, %sub3A_465 : vector<16xf32>
        %exp3A_467 = math.exp %sub3A_466 : vector<16xf32>
        %sub3A_468 = vector.broadcast %sub3A_75 : f32 to vector<16xf32>
        %sub3A_469 = arith.subf %get3A_464, %sub3A_468 : vector<16xf32>
        %mul3A_470 = vector.broadcast %scan3A_82 : f32 to vector<16xf32>
        %mul3A_471 = arith.mulf %sub3A_469, %mul3A_470 : vector<16xf32>
        %convert_element_type3A_472 = arith.fptosi %mul3A_471 : vector<16xf32> to vector<16xi32>
        %jit3A_473 = arith.constant 0 : i32
        %jit3A_474 = arith.constant 1023 : i32
        %max3A_475 = vector.broadcast %jit3A_473 : i32 to vector<16xi32>
        %max3A_476 = arith.maxsi %max3A_475, %convert_element_type3A_472 : vector<16xi32>
        %min3A_477 = vector.broadcast %jit3A_474 : i32 to vector<16xi32>
        %min3A_478 = arith.minsi %min3A_477, %max3A_476 : vector<16xi32>
        %mul3A_479 = arith.constant 16 : i32
        %mul3A_480 = vector.broadcast %mul3A_479 : i32 to vector<16xi32>
        %mul3A_481 = arith.muli %min3A_478, %mul3A_480 : vector<16xi32>
        %add3A_482 = arith.addi %mul3A_481, %iota3A : vector<16xi32>
        tpu.vector_store_idx %arg8[%add3A_482], %exp3A_467 {add = true} : memref<16384xf32, #tpu.memory_space<vmem>>[vector<16xi32>], vector<16xf32>,
        %shift_right_arithmetic3A_483 = arith.constant 6 : i32
        %shift_right_arithmetic3A_484 = vector.broadcast %shift_right_arithmetic3A_483 : i32 to vector<16xi32>
        %shift_right_arithmetic3A_485 = arith.shrsi %min3A_478, %shift_right_arithmetic3A_484 : vector<16xi32>
        tpu.vector_store_idx %arg9[%iota3A, %shift_right_arithmetic3A_485], %exp3A_467 {add = true} : memref<16x16xf32, #tpu.memory_space<vmem>>[vector<16xi32>, vector<16xi32>], vector<16xf32>,
        %add3A_486 = arith.addf %add3A_457, %exp3A_467 : vector<16xf32>
        scf.yield %add3A_486 : vector<16xf32>
      }
      %scan3A_88 = arith.constant 128 : i32
      %reduce_sum3A = arith.constant true
      %reduce_sum3A_89 = vector.broadcast %reduce_sum3A : i1 to vector<16xi1>
      %reduce_sum3A_90 = tpu.scan <sum>, %scan3A_87 masked %reduce_sum3A_89 : vector<16xf32>, vector<16xi1> -> vector<16xf32>
      %reduce_sum3A_91 = vector.extract %reduce_sum3A_90[15] : f32 from vector<16xf32>
      %mul3A_92 = arith.constant 0.899999976 : f32
      %mul3A_93 = arith.mulf %mul3A_92, %reduce_sum3A_91 : f32
      %scan3A_94 = arith.constant 0 : i32
      %scan3A_95 = arith.constant 16 : i32
      %scan3A_96 = arith.addi %scan3A_94, %scan3A_95 : i32
      %scan3A_97 = arith.constant 1 : i32
      %scan3A_98 = scf.for %scan3A_370 = %scan3A_94 to %scan3A_96 step %scan3A_97 iter_args(%scan3A_371 = %broadcast_in_dim3A_0) -> (vector<16xf32>)  : i32 {
        %get3A_372 = arith.index_cast %scan3A_370 : i32 to index
        %get3A_373 = arith.constant 0 : index
        %get3A_374 = tpu.vector_load %arg9[%get3A_372, %get3A_373] {strides = array<i32>} : memref<16x16xf32, #tpu.memory_space<vmem>>, vector<16xf32>,
        %add3A_375 = arith.addf %scan3A_371, %get3A_374 : vector<16xf32>
        scf.yield %add3A_375 : vector<16xf32>
      }
      %scan3A_99 = arith.constant 16 : i32
      %broadcast_in_dim3A_100 = arith.constant true
      %broadcast_in_dim3A_101 = vector.broadcast %broadcast_in_dim3A_100 : i1 to vector<16xi1>
      %masked_cumsum3A = tpu.scan <sum>, %scan3A_98 masked %broadcast_in_dim3A_101 : vector<16xf32>, vector<16xi1> -> vector<16xf32>
      %reduce_max3A_102 = arith.constant true
      %reduce_max3A_103 = vector.broadcast %reduce_max3A_102 : i1 to vector<16xi1>
      %reduce_max3A_104 = tpu.scan <max>, %masked_cumsum3A masked %reduce_max3A_103 : vector<16xf32>, vector<16xi1> -> vector<16xf32>
      %reduce_max3A_105 = vector.extract %reduce_max3A_104[15] : f32 from vector<16xf32>
      %sub3A_106 = vector.broadcast %reduce_max3A_105 : f32 to vector<16xf32>
      %sub3A_107 = arith.subf %sub3A_106, %masked_cumsum3A : vector<16xf32>
      %add3A_108 = arith.addf %sub3A_107, %scan3A_98 : vector<16xf32>
      %ge3A = vector.broadcast %mul3A_93 : f32 to vector<16xf32>
      %ge3A_109 = arith.cmpf oge, %add3A_108, %ge3A : vector<16xf32>
      %jit3A = arith.constant -1 : i32
      %broadcast_in_dim3A_110 = vector.broadcast %jit3A : i32 to vector<16xi32>
      %select_n3A = arith.select %ge3A_109, %iota3A, %broadcast_in_dim3A_110 : vector<16xi1>, vector<16xi32>
      %reduce_max3A_111 = arith.constant true
      %reduce_max3A_112 = vector.broadcast %reduce_max3A_111 : i1 to vector<16xi1>
      %reduce_max3A_113 = arith.constant -2147483648 : i32
      %reduce_max3A_114 = vector.broadcast %reduce_max3A_113 : i32 to vector<16xi32>
      %reduce_max3A_115 = arith.xori %select_n3A, %reduce_max3A_114 : vector<16xi32>
      %reduce_max3A_116 = tpu.scan <max>, %reduce_max3A_115 masked %reduce_max3A_112 : vector<16xi32>, vector<16xi1> -> vector<16xi32>
      %reduce_max3A_117 = arith.xori %reduce_max3A_116, %reduce_max3A_114 : vector<16xi32>
      %reduce_max3A_118 = vector.extract %reduce_max3A_117[15] : i32 from vector<16xi32>
      %eq3A = vector.broadcast %reduce_max3A_118 : i32 to vector<16xi32>
      %eq3A_119 = arith.cmpi eq, %iota3A, %eq3A : vector<16xi32>
      %jit3A_120 = arith.constant 0.000000e+00 : f32
      %broadcast_in_dim3A_121 = vector.broadcast %jit3A_120 : f32 to vector<16xf32>
      %select_n3A_122 = arith.select %eq3A_119, %add3A_108, %broadcast_in_dim3A_121 : vector<16xi1>, vector<16xf32>
      %reduce_sum3A_123 = arith.constant true
      %reduce_sum3A_124 = vector.broadcast %reduce_sum3A_123 : i1 to vector<16xi1>
      %reduce_sum3A_125 = tpu.scan <sum>, %select_n3A_122 masked %reduce_sum3A_124 : vector<16xf32>, vector<16xi1> -> vector<16xf32>
      %reduce_sum3A_126 = vector.extract %reduce_sum3A_125[15] : f32 from vector<16xf32>
      %eq3A_127 = vector.broadcast %reduce_max3A_118 : i32 to vector<16xi32>
      %eq3A_128 = arith.cmpi eq, %iota3A, %eq3A_127 : vector<16xi32>
      %jit3A_129 = arith.constant 0.000000e+00 : f32
      %broadcast_in_dim3A_130 = vector.broadcast %jit3A_129 : f32 to vector<16xf32>
      %select_n3A_131 = arith.select %eq3A_128, %scan3A_98, %broadcast_in_dim3A_130 : vector<16xi1>, vector<16xf32>
      %reduce_sum3A_132 = arith.constant true
      %reduce_sum3A_133 = vector.broadcast %reduce_sum3A_132 : i1 to vector<16xi1>
      %reduce_sum3A_134 = tpu.scan <sum>, %select_n3A_131 masked %reduce_sum3A_133 : vector<16xf32>, vector<16xi1> -> vector<16xf32>
      %reduce_sum3A_135 = vector.extract %reduce_sum3A_134[15] : f32 from vector<16xf32>
      %sub3A_136 = arith.subf %reduce_sum3A_126, %reduce_sum3A_135 : f32
      %scan3A_137 = arith.constant 0 : i32
      %scan3A_138 = arith.constant 0.000000e+00 : f32
      %scan3A_139 = arith.constant false
      %scan3A_140 = arith.constant 0 : i32
      %scan3A_141 = arith.constant 4 : i32
      %scan3A_142 = arith.addi %scan3A_140, %scan3A_141 : i32
      %scan3A_143 = arith.constant 1 : i32
      %scan3A_144:4 = scf.for %scan3A_370 = %scan3A_140 to %scan3A_142 step %scan3A_143 iter_args(%scan3A_371 = %sub3A_136, %scan3A_372 = %scan3A_137, %scan3A_373 = %scan3A_138, %scan3A_374 = %scan3A_139) -> (f32, i32, f32, i1)  : i32 {
        %sub3A_375 = arith.constant 3 : i32
        %sub3A_376 = arith.subi %sub3A_375, %scan3A_370 : i32
        %mul3A_377 = arith.constant 64 : i32
        %mul3A_378 = arith.muli %reduce_max3A_118, %mul3A_377 : i32
        %mul3A_379 = arith.constant 16 : i32
        %mul3A_380 = arith.muli %sub3A_376, %mul3A_379 : i32
        %add3A_381 = arith.addi %mul3A_378, %mul3A_380 : i32
        %mul3A_382 = arith.constant 16 : i32
        %mul3A_383 = arith.muli %add3A_381, %mul3A_382 : i32
        %mul3A_384 = arith.constant 16 : i32
        %mul3A_385 = vector.broadcast %mul3A_384 : i32 to vector<16xi32>
        %mul3A_386 = arith.muli %iota3A, %mul3A_385 : vector<16xi32>
        %add3A_387 = vector.broadcast %mul3A_383 : i32 to vector<16xi32>
        %add3A_388 = arith.addi %add3A_387, %mul3A_386 : vector<16xi32>
        %scan3A_389 = arith.constant 0 : i32
        %scan3A_390 = arith.constant 16 : i32
        %scan3A_391 = arith.addi %scan3A_389, %scan3A_390 : i32
        %scan3A_392 = arith.constant 1 : i32
        %scan3A_393 = scf.for %scan3A_445 = %scan3A_389 to %scan3A_391 step %scan3A_392 iter_args(%scan3A_446 = %broadcast_in_dim3A_0) -> (vector<16xf32>)  : i32 {
          %add3A_447 = vector.broadcast %scan3A_445 : i32 to vector<16xi32>
          %add3A_448 = arith.addi %add3A_388, %add3A_447 : vector<16xi32>
          %gather3A = tpu.vector_load_idx %arg8[%add3A_448] : memref<16384xf32, #tpu.memory_space<vmem>>[vector<16xi32>], vector<16xf32>,
          %add3A_449 = arith.addf %scan3A_446, %gather3A : vector<16xf32>
          scf.yield %add3A_449 : vector<16xf32>
        }
        %scan3A_394 = arith.constant 16 : i32
        %broadcast_in_dim3A_395 = arith.constant true
        %broadcast_in_dim3A_396 = vector.broadcast %broadcast_in_dim3A_395 : i1 to vector<16xi1>
        %masked_cumsum3A_397 = tpu.scan <sum>, %scan3A_393 masked %broadcast_in_dim3A_396 : vector<16xf32>, vector<16xi1> -> vector<16xf32>
        %reduce_max3A_398 = arith.constant true
        %reduce_max3A_399 = vector.broadcast %reduce_max3A_398 : i1 to vector<16xi1>
        %reduce_max3A_400 = tpu.scan <max>, %masked_cumsum3A_397 masked %reduce_max3A_399 : vector<16xf32>, vector<16xi1> -> vector<16xf32>
        %reduce_max3A_401 = vector.extract %reduce_max3A_400[15] : f32 from vector<16xf32>
        %sub3A_402 = vector.broadcast %reduce_max3A_401 : f32 to vector<16xf32>
        %sub3A_403 = arith.subf %sub3A_402, %masked_cumsum3A_397 : vector<16xf32>
        %add3A_404 = arith.addf %sub3A_403, %scan3A_393 : vector<16xf32>
        %add3A_405 = vector.broadcast %scan3A_371 : f32 to vector<16xf32>
        %add3A_406 = arith.addf %add3A_405, %add3A_404 : vector<16xf32>
        %ge3A_407 = vector.broadcast %mul3A_93 : f32 to vector<16xf32>
        %ge3A_408 = arith.cmpf oge, %add3A_406, %ge3A_407 : vector<16xf32>
        %jit3A_409 = arith.constant -1 : i32
        %broadcast_in_dim3A_410 = vector.broadcast %jit3A_409 : i32 to vector<16xi32>
        %select_n3A_411 = arith.select %ge3A_408, %iota3A, %broadcast_in_dim3A_410 : vector<16xi1>, vector<16xi32>
        %reduce_max3A_412 = arith.constant true
        %reduce_max3A_413 = vector.broadcast %reduce_max3A_412 : i1 to vector<16xi1>
        %reduce_max3A_414 = arith.constant -2147483648 : i32
        %reduce_max3A_415 = vector.broadcast %reduce_max3A_414 : i32 to vector<16xi32>
        %reduce_max3A_416 = arith.xori %select_n3A_411, %reduce_max3A_415 : vector<16xi32>
        %reduce_max3A_417 = tpu.scan <max>, %reduce_max3A_416 masked %reduce_max3A_413 : vector<16xi32>, vector<16xi1> -> vector<16xi32>
        %reduce_max3A_418 = arith.xori %reduce_max3A_417, %reduce_max3A_415 : vector<16xi32>
        %reduce_max3A_419 = vector.extract %reduce_max3A_418[15] : i32 from vector<16xi32>
        %not3A = arith.constant true
        %not3A_420 = arith.xori %scan3A_374, %not3A : i1
        %ge3A_421 = arith.constant 0 : i32
        %ge3A_422 = arith.cmpi sge, %reduce_max3A_419, %ge3A_421 : i32
        %and3A_423 = arith.andi %not3A_420, %ge3A_422 : i1
        %eq3A_424 = vector.broadcast %reduce_max3A_419 : i32 to vector<16xi32>
        %eq3A_425 = arith.cmpi eq, %iota3A, %eq3A_424 : vector<16xi32>
        %jit3A_426 = arith.constant 0.000000e+00 : f32
        %broadcast_in_dim3A_427 = vector.broadcast %jit3A_426 : f32 to vector<16xf32>
        %select_n3A_428 = arith.select %eq3A_425, %masked_cumsum3A_397, %broadcast_in_dim3A_427 : vector<16xi1>, vector<16xf32>
        %reduce_sum3A_429 = arith.constant true
        %reduce_sum3A_430 = vector.broadcast %reduce_sum3A_429 : i1 to vector<16xi1>
        %reduce_sum3A_431 = tpu.scan <sum>, %select_n3A_428 masked %reduce_sum3A_430 : vector<16xf32>, vector<16xi1> -> vector<16xf32>
        %reduce_sum3A_432 = vector.extract %reduce_sum3A_431[15] : f32 from vector<16xf32>
        %mul3A_433 = arith.constant 64 : i32
        %mul3A_434 = arith.muli %reduce_max3A_118, %mul3A_433 : i32
        %mul3A_435 = arith.constant 16 : i32
        %mul3A_436 = arith.muli %sub3A_376, %mul3A_435 : i32
        %add3A_437 = arith.addi %mul3A_434, %mul3A_436 : i32
        %add3A_438 = arith.addi %add3A_437, %reduce_max3A_419 : i32
        %select_n3A_439 = arith.select %and3A_423, %add3A_438, %scan3A_372 : i32
        %sub3A_440 = arith.subf %reduce_max3A_401, %reduce_sum3A_432 : f32
        %add3A_441 = arith.addf %scan3A_371, %sub3A_440 : f32
        %select_n3A_442 = arith.select %and3A_423, %add3A_441, %scan3A_373 : f32
        %or3A = arith.ori %scan3A_374, %and3A_423 : i1
        %add3A_443 = arith.addf %scan3A_371, %reduce_max3A_401 : f32
        %select_n3A_444 = arith.select %or3A, %scan3A_371, %add3A_443 : f32
        scf.yield %select_n3A_444, %select_n3A_439, %select_n3A_442, %or3A : f32, i32, f32, i1
      }
      %scan3A_145 = arith.constant 4 : i32
      %scan3A_146 = arith.constant 89.0434799 : f32
      %scan3A_147 = arith.constant 0 : i32
      %scan3A_148 = arith.constant 128 : i32
      %scan3A_149 = arith.addi %scan3A_147, %scan3A_148 : i32
      %scan3A_150 = arith.constant 1 : i32
      %scan3A_151 = scf.for %scan3A_370 = %scan3A_147 to %scan3A_149 step %scan3A_150 iter_args(%scan3A_371 = %broadcast_in_dim3A_2) -> (vector<16xi32>)  : i32 {
        %mul3A_372 = arith.constant 64 : i32
        %mul3A_373 = arith.muli %scan3A_370, %mul3A_372 : i32
        %add3A_374 = arith.addi %mul3A_38, %mul3A_373 : i32
        %add3A_375 = arith.constant 0 : i32
        %add3A_376 = arith.addi %add3A_374, %add3A_375 : i32
        %get3A_377 = arith.index_cast %add3A_376 : i32 to index
        %get3A_378 = tpu.vector_load %arg4[%get3A_377] {strides = array<i32>} : memref<16384xf32, #tpu.memory_space<vmem>>, vector<16xf32>,
        %sub3A_379 = vector.broadcast %sub3A_75 : f32 to vector<16xf32>
        %sub3A_380 = arith.subf %get3A_378, %sub3A_379 : vector<16xf32>
        %mul3A_381 = vector.broadcast %scan3A_146 : f32 to vector<16xf32>
        %mul3A_382 = arith.mulf %sub3A_380, %mul3A_381 : vector<16xf32>
        %convert_element_type3A_383 = arith.fptosi %mul3A_382 : vector<16xf32> to vector<16xi32>
        %jit3A_384 = arith.constant 0 : i32
        %jit3A_385 = arith.constant 1023 : i32
        %max3A_386 = vector.broadcast %jit3A_384 : i32 to vector<16xi32>
        %max3A_387 = arith.maxsi %max3A_386, %convert_element_type3A_383 : vector<16xi32>
        %min3A_388 = vector.broadcast %jit3A_385 : i32 to vector<16xi32>
        %min3A_389 = arith.minsi %min3A_388, %max3A_387 : vector<16xi32>
        %eq3A_390 = vector.broadcast %scan3A_144#1 : i32 to vector<16xi32>
        %eq3A_391 = arith.cmpi eq, %min3A_389, %eq3A_390 : vector<16xi32>
        %min3A_392 = arith.constant 31 : i32
        %min3A_393 = vector.broadcast %min3A_392 : i32 to vector<16xi32>
        %min3A_394 = arith.minsi %scan3A_371, %min3A_393 : vector<16xi32>
        %mul3A_395 = arith.constant 16 : i32
        %mul3A_396 = vector.broadcast %mul3A_395 : i32 to vector<16xi32>
        %mul3A_397 = arith.muli %min3A_394, %mul3A_396 : vector<16xi32>
        %add3A_398 = arith.addi %mul3A_397, %iota3A : vector<16xi32>
        %mul3A_399 = arith.constant 4 : i32
        %mul3A_400 = arith.muli %scan3A_370, %mul3A_399 : i32
        %add3A_401 = arith.constant 0 : i32
        %add3A_402 = arith.addi %mul3A_400, %add3A_401 : i32
        %mul3A_403 = arith.constant 16 : i32
        %mul3A_404 = arith.muli %add3A_402, %mul3A_403 : i32
        %add3A_405 = vector.broadcast %mul3A_404 : i32 to vector<16xi32>
        %add3A_406 = arith.addi %add3A_405, %iota3A : vector<16xi32>
        tpu.vector_store_idx %arg10[%add3A_398], %add3A_406 masked %eq3A_391 : memref<512xi32, #tpu.memory_space<vmem>>[vector<16xi32>], vector<16xi32>, vector<16xi1>
        %convert_element_type3A_407 = arith.extui %eq3A_391 : vector<16xi1> to vector<16xi32>
        %add3A_408 = arith.addi %scan3A_371, %convert_element_type3A_407 : vector<16xi32>
        %mul3A_409 = arith.constant 64 : i32
        %mul3A_410 = arith.muli %scan3A_370, %mul3A_409 : i32
        %add3A_411 = arith.addi %mul3A_38, %mul3A_410 : i32
        %add3A_412 = arith.constant 16 : i32
        %add3A_413 = arith.addi %add3A_411, %add3A_412 : i32
        %get3A_414 = arith.index_cast %add3A_413 : i32 to index
        %get3A_415 = tpu.vector_load %arg4[%get3A_414] {strides = array<i32>} : memref<16384xf32, #tpu.memory_space<vmem>>, vector<16xf32>,
        %sub3A_416 = vector.broadcast %sub3A_75 : f32 to vector<16xf32>
        %sub3A_417 = arith.subf %get3A_415, %sub3A_416 : vector<16xf32>
        %mul3A_418 = vector.broadcast %scan3A_146 : f32 to vector<16xf32>
        %mul3A_419 = arith.mulf %sub3A_417, %mul3A_418 : vector<16xf32>
        %convert_element_type3A_420 = arith.fptosi %mul3A_419 : vector<16xf32> to vector<16xi32>
        %jit3A_421 = arith.constant 0 : i32
        %jit3A_422 = arith.constant 1023 : i32
        %max3A_423 = vector.broadcast %jit3A_421 : i32 to vector<16xi32>
        %max3A_424 = arith.maxsi %max3A_423, %convert_element_type3A_420 : vector<16xi32>
        %min3A_425 = vector.broadcast %jit3A_422 : i32 to vector<16xi32>
        %min3A_426 = arith.minsi %min3A_425, %max3A_424 : vector<16xi32>
        %eq3A_427 = vector.broadcast %scan3A_144#1 : i32 to vector<16xi32>
        %eq3A_428 = arith.cmpi eq, %min3A_426, %eq3A_427 : vector<16xi32>
        %min3A_429 = arith.constant 31 : i32
        %min3A_430 = vector.broadcast %min3A_429 : i32 to vector<16xi32>
        %min3A_431 = arith.minsi %add3A_408, %min3A_430 : vector<16xi32>
        %mul3A_432 = arith.constant 16 : i32
        %mul3A_433 = vector.broadcast %mul3A_432 : i32 to vector<16xi32>
        %mul3A_434 = arith.muli %min3A_431, %mul3A_433 : vector<16xi32>
        %add3A_435 = arith.addi %mul3A_434, %iota3A : vector<16xi32>
        %mul3A_436 = arith.constant 4 : i32
        %mul3A_437 = arith.muli %scan3A_370, %mul3A_436 : i32
        %add3A_438 = arith.constant 1 : i32
        %add3A_439 = arith.addi %mul3A_437, %add3A_438 : i32
        %mul3A_440 = arith.constant 16 : i32
        %mul3A_441 = arith.muli %add3A_439, %mul3A_440 : i32
        %add3A_442 = vector.broadcast %mul3A_441 : i32 to vector<16xi32>
        %add3A_443 = arith.addi %add3A_442, %iota3A : vector<16xi32>
        tpu.vector_store_idx %arg10[%add3A_435], %add3A_443 masked %eq3A_428 : memref<512xi32, #tpu.memory_space<vmem>>[vector<16xi32>], vector<16xi32>, vector<16xi1>
        %convert_element_type3A_444 = arith.extui %eq3A_428 : vector<16xi1> to vector<16xi32>
        %add3A_445 = arith.addi %add3A_408, %convert_element_type3A_444 : vector<16xi32>
        %mul3A_446 = arith.constant 64 : i32
        %mul3A_447 = arith.muli %scan3A_370, %mul3A_446 : i32
        %add3A_448 = arith.addi %mul3A_38, %mul3A_447 : i32
        %add3A_449 = arith.constant 32 : i32
        %add3A_450 = arith.addi %add3A_448, %add3A_449 : i32
        %get3A_451 = arith.index_cast %add3A_450 : i32 to index
        %get3A_452 = tpu.vector_load %arg4[%get3A_451] {strides = array<i32>} : memref<16384xf32, #tpu.memory_space<vmem>>, vector<16xf32>,
        %sub3A_453 = vector.broadcast %sub3A_75 : f32 to vector<16xf32>
        %sub3A_454 = arith.subf %get3A_452, %sub3A_453 : vector<16xf32>
        %mul3A_455 = vector.broadcast %scan3A_146 : f32 to vector<16xf32>
        %mul3A_456 = arith.mulf %sub3A_454, %mul3A_455 : vector<16xf32>
        %convert_element_type3A_457 = arith.fptosi %mul3A_456 : vector<16xf32> to vector<16xi32>
        %jit3A_458 = arith.constant 0 : i32
        %jit3A_459 = arith.constant 1023 : i32
        %max3A_460 = vector.broadcast %jit3A_458 : i32 to vector<16xi32>
        %max3A_461 = arith.maxsi %max3A_460, %convert_element_type3A_457 : vector<16xi32>
        %min3A_462 = vector.broadcast %jit3A_459 : i32 to vector<16xi32>
        %min3A_463 = arith.minsi %min3A_462, %max3A_461 : vector<16xi32>
        %eq3A_464 = vector.broadcast %scan3A_144#1 : i32 to vector<16xi32>
        %eq3A_465 = arith.cmpi eq, %min3A_463, %eq3A_464 : vector<16xi32>
        %min3A_466 = arith.constant 31 : i32
        %min3A_467 = vector.broadcast %min3A_466 : i32 to vector<16xi32>
        %min3A_468 = arith.minsi %add3A_445, %min3A_467 : vector<16xi32>
        %mul3A_469 = arith.constant 16 : i32
        %mul3A_470 = vector.broadcast %mul3A_469 : i32 to vector<16xi32>
        %mul3A_471 = arith.muli %min3A_468, %mul3A_470 : vector<16xi32>
        %add3A_472 = arith.addi %mul3A_471, %iota3A : vector<16xi32>
        %mul3A_473 = arith.constant 4 : i32
        %mul3A_474 = arith.muli %scan3A_370, %mul3A_473 : i32
        %add3A_475 = arith.constant 2 : i32
        %add3A_476 = arith.addi %mul3A_474, %add3A_475 : i32
        %mul3A_477 = arith.constant 16 : i32
        %mul3A_478 = arith.muli %add3A_476, %mul3A_477 : i32
        %add3A_479 = vector.broadcast %mul3A_478 : i32 to vector<16xi32>
        %add3A_480 = arith.addi %add3A_479, %iota3A : vector<16xi32>
        tpu.vector_store_idx %arg10[%add3A_472], %add3A_480 masked %eq3A_465 : memref<512xi32, #tpu.memory_space<vmem>>[vector<16xi32>], vector<16xi32>, vector<16xi1>
        %convert_element_type3A_481 = arith.extui %eq3A_465 : vector<16xi1> to vector<16xi32>
        %add3A_482 = arith.addi %add3A_445, %convert_element_type3A_481 : vector<16xi32>
        %mul3A_483 = arith.constant 64 : i32
        %mul3A_484 = arith.muli %scan3A_370, %mul3A_483 : i32
        %add3A_485 = arith.addi %mul3A_38, %mul3A_484 : i32
        %add3A_486 = arith.constant 48 : i32
        %add3A_487 = arith.addi %add3A_485, %add3A_486 : i32
        %get3A_488 = arith.index_cast %add3A_487 : i32 to index
        %get3A_489 = tpu.vector_load %arg4[%get3A_488] {strides = array<i32>} : memref<16384xf32, #tpu.memory_space<vmem>>, vector<16xf32>,
        %sub3A_490 = vector.broadcast %sub3A_75 : f32 to vector<16xf32>
        %sub3A_491 = arith.subf %get3A_489, %sub3A_490 : vector<16xf32>
        %mul3A_492 = vector.broadcast %scan3A_146 : f32 to vector<16xf32>
        %mul3A_493 = arith.mulf %sub3A_491, %mul3A_492 : vector<16xf32>
        %convert_element_type3A_494 = arith.fptosi %mul3A_493 : vector<16xf32> to vector<16xi32>
        %jit3A_495 = arith.constant 0 : i32
        %jit3A_496 = arith.constant 1023 : i32
        %max3A_497 = vector.broadcast %jit3A_495 : i32 to vector<16xi32>
        %max3A_498 = arith.maxsi %max3A_497, %convert_element_type3A_494 : vector<16xi32>
        %min3A_499 = vector.broadcast %jit3A_496 : i32 to vector<16xi32>
        %min3A_500 = arith.minsi %min3A_499, %max3A_498 : vector<16xi32>
        %eq3A_501 = vector.broadcast %scan3A_144#1 : i32 to vector<16xi32>
        %eq3A_502 = arith.cmpi eq, %min3A_500, %eq3A_501 : vector<16xi32>
        %min3A_503 = arith.constant 31 : i32
        %min3A_504 = vector.broadcast %min3A_503 : i32 to vector<16xi32>
        %min3A_505 = arith.minsi %add3A_482, %min3A_504 : vector<16xi32>
        %mul3A_506 = arith.constant 16 : i32
        %mul3A_507 = vector.broadcast %mul3A_506 : i32 to vector<16xi32>
        %mul3A_508 = arith.muli %min3A_505, %mul3A_507 : vector<16xi32>
        %add3A_509 = arith.addi %mul3A_508, %iota3A : vector<16xi32>
        %mul3A_510 = arith.constant 4 : i32
        %mul3A_511 = arith.muli %scan3A_370, %mul3A_510 : i32
        %add3A_512 = arith.constant 3 : i32
        %add3A_513 = arith.addi %mul3A_511, %add3A_512 : i32
        %mul3A_514 = arith.constant 16 : i32
        %mul3A_515 = arith.muli %add3A_513, %mul3A_514 : i32
        %add3A_516 = vector.broadcast %mul3A_515 : i32 to vector<16xi32>
        %add3A_517 = arith.addi %add3A_516, %iota3A : vector<16xi32>
        tpu.vector_store_idx %arg10[%add3A_509], %add3A_517 masked %eq3A_502 : memref<512xi32, #tpu.memory_space<vmem>>[vector<16xi32>], vector<16xi32>, vector<16xi1>
        %convert_element_type3A_518 = arith.extui %eq3A_502 : vector<16xi1> to vector<16xi32>
        %add3A_519 = arith.addi %add3A_482, %convert_element_type3A_518 : vector<16xi32>
        scf.yield %add3A_519 : vector<16xi32>
      }
      %scan3A_152 = arith.constant 128 : i32
      %reduce_max3A_153 = arith.constant true
      %reduce_max3A_154 = vector.broadcast %reduce_max3A_153 : i1 to vector<16xi1>
      %reduce_max3A_155 = arith.constant -2147483648 : i32
      %reduce_max3A_156 = vector.broadcast %reduce_max3A_155 : i32 to vector<16xi32>
      %reduce_max3A_157 = arith.xori %scan3A_151, %reduce_max3A_156 : vector<16xi32>
      %reduce_max3A_158 = tpu.scan <max>, %reduce_max3A_157 masked %reduce_max3A_154 : vector<16xi32>, vector<16xi1> -> vector<16xi32>
      %reduce_max3A_159 = arith.xori %reduce_max3A_158, %reduce_max3A_156 : vector<16xi32>
      %reduce_max3A_160 = vector.extract %reduce_max3A_159[15] : i32 from vector<16xi32>
      %min3A = arith.constant 32 : i32
      %min3A_161 = arith.minsi %reduce_max3A_160, %min3A : i32
      %convert_element_type3A_162 = arith.sitofp %scan3A_144#1 : i32 to f32
      %mul3A_163 = arith.constant 0.0112304688 : f32
      %mul3A_164 = arith.mulf %convert_element_type3A_162, %mul3A_163 : f32
      %add3A_165 = arith.addf %sub3A_75, %mul3A_164 : f32
      %scan3A_166 = arith.constant 0 : i32
      %scan3A_167 = arith.constant 0 : i32
      %scan3A_168 = arith.constant 16 : i32
      %scan3A_169 = arith.addi %scan3A_167, %scan3A_168 : i32
      %scan3A_170 = arith.constant 1 : i32
      scf.for %scan3A_370 = %scan3A_167 to %scan3A_169 step %scan3A_170  : i32 {
        %swap3A_371 = arith.index_cast %scan3A_370 : i32 to index
        %swap3A_372 = arith.constant 0 : index
        %swap3A_373 = tpu.vector_load %arg9[%swap3A_371, %swap3A_372] {strides = array<i32>} : memref<16x16xf32, #tpu.memory_space<vmem>>, vector<16xf32>,
        tpu.vector_store %arg9[%swap3A_371, %swap3A_372], %broadcast_in_dim3A_0 {strides = array<i32>} : memref<16x16xf32, #tpu.memory_space<vmem>>, vector<16xf32>,
      }
      %scan3A_171 = arith.constant 16 : i32
      %while3A = arith.constant 0 : i32
      %while3A_172 = arith.constant 1424.69568 : f32
      %while3A_173 = arith.constant 0 : i32
      %while3A_174 = arith.subi %min3A_161, %while3A_173 : i32
      %while3A_175 = arith.addi %while3A_173, %while3A_174 : i32
      %while3A_176 = arith.constant 1 : i32
      %while3A_177 = arith.divsi %while3A_174, %while3A_176 : i32
      %while3A_178 = arith.muli %while3A_177, %while3A_176 : i32
      %while3A_179 = arith.addi %while3A_173, %while3A_178 : i32
      %while3A_180 = arith.constant 1 : i32
      scf.for %while3A_370 = %while3A_173 to %while3A_179 step %while3A_180  : i32 {
        %mul3A_371 = arith.constant 16 : i32
        %mul3A_372 = arith.muli %while3A_370, %mul3A_371 : i32
        %get3A_373 = arith.index_cast %mul3A_372 : i32 to index
        %get3A_374 = tpu.vector_load %arg10[%get3A_373] {strides = array<i32>} : memref<512xi32, #tpu.memory_space<vmem>>, vector<16xi32>,
        %and3A_375 = arith.constant 8191 : i32
        %and3A_376 = vector.broadcast %and3A_375 : i32 to vector<16xi32>
        %and3A_377 = arith.andi %get3A_374, %and3A_376 : vector<16xi32>
        %add3A_378 = vector.broadcast %mul3A_38 : i32 to vector<16xi32>
        %add3A_379 = arith.addi %add3A_378, %and3A_377 : vector<16xi32>
        %gather3A = tpu.vector_load_idx %arg4[%add3A_379] : memref<16384xf32, #tpu.memory_space<vmem>>[vector<16xi32>], vector<16xf32>,
        %sub3A_380 = vector.broadcast %reduce_max3A_74 : f32 to vector<16xf32>
        %sub3A_381 = arith.subf %gather3A, %sub3A_380 : vector<16xf32>
        %exp3A_382 = math.exp %sub3A_381 : vector<16xf32>
        %gt3A = vector.broadcast %while3A_370 : i32 to vector<16xi32>
        %gt3A_383 = arith.cmpi sgt, %scan3A_151, %gt3A : vector<16xi32>
        %sub3A_384 = vector.broadcast %add3A_165 : f32 to vector<16xf32>
        %sub3A_385 = arith.subf %gather3A, %sub3A_384 : vector<16xf32>
        %mul3A_386 = vector.broadcast %while3A_172 : f32 to vector<16xf32>
        %mul3A_387 = arith.mulf %sub3A_385, %mul3A_386 : vector<16xf32>
        %convert_element_type3A_388 = arith.fptosi %mul3A_387 : vector<16xf32> to vector<16xi32>
        %jit3A_389 = arith.constant 0 : i32
        %jit3A_390 = arith.constant 15 : i32
        %max3A_391 = vector.broadcast %jit3A_389 : i32 to vector<16xi32>
        %max3A_392 = arith.maxsi %max3A_391, %convert_element_type3A_388 : vector<16xi32>
        %min3A_393 = vector.broadcast %jit3A_390 : i32 to vector<16xi32>
        %min3A_394 = arith.minsi %min3A_393, %max3A_392 : vector<16xi32>
        tpu.vector_store_idx %arg9[%min3A_394, %iota3A], %exp3A_382 masked %gt3A_383 {add = true} : memref<16x16xf32, #tpu.memory_space<vmem>>[vector<16xi32>, vector<16xi32>], vector<16xf32>, vector<16xi1>
      }
      %while3A_181 = arith.constant 1 : i32
      scf.for %while3A_370 = %while3A_179 to %while3A_175 step %while3A_181  : i32 {
        %mul3A_371 = arith.constant 16 : i32
        %mul3A_372 = arith.muli %while3A_370, %mul3A_371 : i32
        %get3A_373 = arith.index_cast %mul3A_372 : i32 to index
        %get3A_374 = tpu.vector_load %arg10[%get3A_373] {strides = array<i32>} : memref<512xi32, #tpu.memory_space<vmem>>, vector<16xi32>,
        %and3A_375 = arith.constant 8191 : i32
        %and3A_376 = vector.broadcast %and3A_375 : i32 to vector<16xi32>
        %and3A_377 = arith.andi %get3A_374, %and3A_376 : vector<16xi32>
        %add3A_378 = vector.broadcast %mul3A_38 : i32 to vector<16xi32>
        %add3A_379 = arith.addi %add3A_378, %and3A_377 : vector<16xi32>
        %gather3A = tpu.vector_load_idx %arg4[%add3A_379] : memref<16384xf32, #tpu.memory_space<vmem>>[vector<16xi32>], vector<16xf32>,
        %sub3A_380 = vector.broadcast %reduce_max3A_74 : f32 to vector<16xf32>
        %sub3A_381 = arith.subf %gather3A, %sub3A_380 : vector<16xf32>
        %exp3A_382 = math.exp %sub3A_381 : vector<16xf32>
        %gt3A = vector.broadcast %while3A_370 : i32 to vector<16xi32>
        %gt3A_383 = arith.cmpi sgt, %scan3A_151, %gt3A : vector<16xi32>
        %sub3A_384 = vector.broadcast %add3A_165 : f32 to vector<16xf32>
        %sub3A_385 = arith.subf %gather3A, %sub3A_384 : vector<16xf32>
        %mul3A_386 = vector.broadcast %while3A_172 : f32 to vector<16xf32>
        %mul3A_387 = arith.mulf %sub3A_385, %mul3A_386 : vector<16xf32>
        %convert_element_type3A_388 = arith.fptosi %mul3A_387 : vector<16xf32> to vector<16xi32>
        %jit3A_389 = arith.constant 0 : i32
        %jit3A_390 = arith.constant 15 : i32
        %max3A_391 = vector.broadcast %jit3A_389 : i32 to vector<16xi32>
        %max3A_392 = arith.maxsi %max3A_391, %convert_element_type3A_388 : vector<16xi32>
        %min3A_393 = vector.broadcast %jit3A_390 : i32 to vector<16xi32>
        %min3A_394 = arith.minsi %min3A_393, %max3A_392 : vector<16xi32>
        tpu.vector_store_idx %arg9[%min3A_394, %iota3A], %exp3A_382 masked %gt3A_383 {add = true} : memref<16x16xf32, #tpu.memory_space<vmem>>[vector<16xi32>, vector<16xi32>], vector<16xf32>, vector<16xi1>
      }
      %scan3A_182 = arith.constant 0 : i32
      %scan3A_183 = arith.constant 16 : i32
      %scan3A_184 = arith.addi %scan3A_182, %scan3A_183 : i32
      %scan3A_185 = arith.constant 1 : i32
      %scan3A_186 = scf.for %scan3A_370 = %scan3A_182 to %scan3A_184 step %scan3A_185 iter_args(%scan3A_371 = %broadcast_in_dim3A_0) -> (vector<16xf32>)  : i32 {
        %broadcast_in_dim3A_372 = vector.broadcast %scan3A_370 : i32 to vector<16xi32>
        %gather3A = tpu.vector_load_idx %arg9[%iota3A, %broadcast_in_dim3A_372] : memref<16x16xf32, #tpu.memory_space<vmem>>[vector<16xi32>, vector<16xi32>], vector<16xf32>,
        %add3A_373 = arith.addf %scan3A_371, %gather3A : vector<16xf32>
        scf.yield %add3A_373 : vector<16xf32>
      }
      %scan3A_187 = arith.constant 16 : i32
      %broadcast_in_dim3A_188 = arith.constant true
      %broadcast_in_dim3A_189 = vector.broadcast %broadcast_in_dim3A_188 : i1 to vector<16xi1>
      %masked_cumsum3A_190 = tpu.scan <sum>, %scan3A_186 masked %broadcast_in_dim3A_189 : vector<16xf32>, vector<16xi1> -> vector<16xf32>
      %reduce_max3A_191 = arith.constant true
      %reduce_max3A_192 = vector.broadcast %reduce_max3A_191 : i1 to vector<16xi1>
      %reduce_max3A_193 = tpu.scan <max>, %masked_cumsum3A_190 masked %reduce_max3A_192 : vector<16xf32>, vector<16xi1> -> vector<16xf32>
      %reduce_max3A_194 = vector.extract %reduce_max3A_193[15] : f32 from vector<16xf32>
      %sub3A_195 = vector.broadcast %reduce_max3A_194 : f32 to vector<16xf32>
      %sub3A_196 = arith.subf %sub3A_195, %masked_cumsum3A_190 : vector<16xf32>
      %add3A_197 = arith.addf %sub3A_196, %scan3A_186 : vector<16xf32>
      %add3A_198 = vector.broadcast %scan3A_144#2 : f32 to vector<16xf32>
      %add3A_199 = arith.addf %add3A_198, %add3A_197 : vector<16xf32>
      %ge3A_200 = vector.broadcast %mul3A_93 : f32 to vector<16xf32>
      %ge3A_201 = arith.cmpf oge, %add3A_199, %ge3A_200 : vector<16xf32>
      %jit3A_202 = arith.constant 0 : i32
      %broadcast_in_dim3A_203 = vector.broadcast %jit3A_202 : i32 to vector<16xi32>
      %select_n3A_204 = arith.select %ge3A_201, %iota3A, %broadcast_in_dim3A_203 : vector<16xi1>, vector<16xi32>
      %reduce_max3A_205 = arith.constant true
      %reduce_max3A_206 = vector.broadcast %reduce_max3A_205 : i1 to vector<16xi1>
      %reduce_max3A_207 = arith.constant -2147483648 : i32
      %reduce_max3A_208 = vector.broadcast %reduce_max3A_207 : i32 to vector<16xi32>
      %reduce_max3A_209 = arith.xori %select_n3A_204, %reduce_max3A_208 : vector<16xi32>
      %reduce_max3A_210 = tpu.scan <max>, %reduce_max3A_209 masked %reduce_max3A_206 : vector<16xi32>, vector<16xi1> -> vector<16xi32>
      %reduce_max3A_211 = arith.xori %reduce_max3A_210, %reduce_max3A_208 : vector<16xi32>
      %reduce_max3A_212 = vector.extract %reduce_max3A_211[15] : i32 from vector<16xi32>
      %eq3A_213 = vector.broadcast %reduce_max3A_212 : i32 to vector<16xi32>
      %eq3A_214 = arith.cmpi eq, %iota3A, %eq3A_213 : vector<16xi32>
      %jit3A_215 = arith.constant 0.000000e+00 : f32
      %broadcast_in_dim3A_216 = vector.broadcast %jit3A_215 : f32 to vector<16xf32>
      %select_n3A_217 = arith.select %eq3A_214, %masked_cumsum3A_190, %broadcast_in_dim3A_216 : vector<16xi1>, vector<16xf32>
      %reduce_sum3A_218 = arith.constant true
      %reduce_sum3A_219 = vector.broadcast %reduce_sum3A_218 : i1 to vector<16xi1>
      %reduce_sum3A_220 = tpu.scan <sum>, %select_n3A_217 masked %reduce_sum3A_219 : vector<16xf32>, vector<16xi1> -> vector<16xf32>
      %reduce_sum3A_221 = vector.extract %reduce_sum3A_220[15] : f32 from vector<16xf32>
      %sub3A_222 = arith.subf %reduce_max3A_194, %reduce_sum3A_221 : f32
      %add3A_223 = arith.addf %scan3A_144#2, %sub3A_222 : f32
      %broadcast_in_dim3A_224 = arith.constant 0xFF800000 : f32
      %broadcast_in_dim3A_225 = vector.broadcast %broadcast_in_dim3A_224 : f32 to vector<16xf32>
      %broadcast_in_dim3A_226 = arith.constant 1048576 : i32
      %broadcast_in_dim3A_227 = vector.broadcast %broadcast_in_dim3A_226 : i32 to vector<16xi32>
      %swap3A = arith.constant 0 : index
      %swap3A_228 = tpu.vector_load %arg11[%swap3A] {strides = array<i32>} : memref<32xf32, #tpu.memory_space<vmem>>, vector<16xf32>,
      tpu.vector_store %arg11[%swap3A], %broadcast_in_dim3A_225 {strides = array<i32>} : memref<32xf32, #tpu.memory_space<vmem>>, vector<16xf32>,
      %swap3A_229 = arith.constant 16 : index
      %swap3A_230 = tpu.vector_load %arg11[%swap3A_229] {strides = array<i32>} : memref<32xf32, #tpu.memory_space<vmem>>, vector<16xf32>,
      tpu.vector_store %arg11[%swap3A_229], %broadcast_in_dim3A_225 {strides = array<i32>} : memref<32xf32, #tpu.memory_space<vmem>>, vector<16xf32>,
      %swap3A_231 = arith.constant 0 : index
      %swap3A_232 = tpu.vector_load %arg12[%swap3A_231] {strides = array<i32>} : memref<32xi32, #tpu.memory_space<vmem>>, vector<16xi32>,
      tpu.vector_store %arg12[%swap3A_231], %broadcast_in_dim3A_227 {strides = array<i32>} : memref<32xi32, #tpu.memory_space<vmem>>, vector<16xi32>,
      %swap3A_233 = arith.constant 16 : index
      %swap3A_234 = tpu.vector_load %arg12[%swap3A_233] {strides = array<i32>} : memref<32xi32, #tpu.memory_space<vmem>>, vector<16xi32>,
      tpu.vector_store %arg12[%swap3A_233], %broadcast_in_dim3A_227 {strides = array<i32>} : memref<32xi32, #tpu.memory_space<vmem>>, vector<16xi32>,
      %while3A_235 = arith.constant 1424.69568 : f32
      %while3A_236 = arith.constant 0 : i32
      %while3A_237 = arith.constant 0 : i32
      %while3A_238 = arith.subi %min3A_161, %while3A_236 : i32
      %while3A_239 = arith.addi %while3A_236, %while3A_238 : i32
      %while3A_240 = arith.constant 1 : i32
      %while3A_241 = arith.divsi %while3A_238, %while3A_240 : i32
      %while3A_242 = arith.muli %while3A_241, %while3A_240 : i32
      %while3A_243 = arith.addi %while3A_236, %while3A_242 : i32
      %while3A_244 = arith.constant 1 : i32
      %while3A_245 = scf.for %while3A_370 = %while3A_236 to %while3A_243 step %while3A_244 iter_args(%while3A_371 = %while3A_237) -> (i32)  : i32 {
        %mul3A_372 = arith.constant 16 : i32
        %mul3A_373 = arith.muli %while3A_370, %mul3A_372 : i32
        %get3A_374 = arith.index_cast %mul3A_373 : i32 to index
        %get3A_375 = tpu.vector_load %arg10[%get3A_374] {strides = array<i32>} : memref<512xi32, #tpu.memory_space<vmem>>, vector<16xi32>,
        %and3A_376 = arith.constant 8191 : i32
        %and3A_377 = vector.broadcast %and3A_376 : i32 to vector<16xi32>
        %and3A_378 = arith.andi %get3A_375, %and3A_377 : vector<16xi32>
        %add3A_379 = vector.broadcast %mul3A_38 : i32 to vector<16xi32>
        %add3A_380 = arith.addi %add3A_379, %and3A_378 : vector<16xi32>
        %gather3A = tpu.vector_load_idx %arg4[%add3A_380] : memref<16384xf32, #tpu.memory_space<vmem>>[vector<16xi32>], vector<16xf32>,
        %gt3A = vector.broadcast %while3A_370 : i32 to vector<16xi32>
        %gt3A_381 = arith.cmpi sgt, %scan3A_151, %gt3A : vector<16xi32>
        %sub3A_382 = vector.broadcast %add3A_165 : f32 to vector<16xf32>
        %sub3A_383 = arith.subf %gather3A, %sub3A_382 : vector<16xf32>
        %mul3A_384 = vector.broadcast %while3A_235 : f32 to vector<16xf32>
        %mul3A_385 = arith.mulf %sub3A_383, %mul3A_384 : vector<16xf32>
        %convert_element_type3A_386 = arith.fptosi %mul3A_385 : vector<16xf32> to vector<16xi32>
        %jit3A_387 = arith.constant 0 : i32
        %jit3A_388 = arith.constant 15 : i32
        %max3A_389 = vector.broadcast %jit3A_387 : i32 to vector<16xi32>
        %max3A_390 = arith.maxsi %max3A_389, %convert_element_type3A_386 : vector<16xi32>
        %min3A_391 = vector.broadcast %jit3A_388 : i32 to vector<16xi32>
        %min3A_392 = arith.minsi %min3A_391, %max3A_390 : vector<16xi32>
        %eq3A_393 = vector.broadcast %reduce_max3A_212 : i32 to vector<16xi32>
        %eq3A_394 = arith.cmpi eq, %min3A_392, %eq3A_393 : vector<16xi32>
        %and3A_395 = arith.andi %gt3A_381, %eq3A_394 : vector<16xi1>
        %convert_element_type3A_396 = arith.extui %and3A_395 : vector<16xi1> to vector<16xi32>
        %broadcast_in_dim3A_397 = arith.constant true
        %broadcast_in_dim3A_398 = vector.broadcast %broadcast_in_dim3A_397 : i1 to vector<16xi1>
        %masked_cumsum3A_399 = tpu.scan <sum>, %convert_element_type3A_396 masked %broadcast_in_dim3A_398 : vector<16xi32>, vector<16xi1> -> vector<16xi32>
        %sub3A_400 = arith.subi %masked_cumsum3A_399, %convert_element_type3A_396 : vector<16xi32>
        %add3A_401 = vector.broadcast %while3A_371 : i32 to vector<16xi32>
        %add3A_402 = arith.addi %add3A_401, %sub3A_400 : vector<16xi32>
        %min3A_403 = arith.constant 31 : i32
        %min3A_404 = vector.broadcast %min3A_403 : i32 to vector<16xi32>
        %min3A_405 = arith.minsi %add3A_402, %min3A_404 : vector<16xi32>
        tpu.vector_store_idx %arg11[%min3A_405], %gather3A masked %and3A_395 : memref<32xf32, #tpu.memory_space<vmem>>[vector<16xi32>], vector<16xf32>, vector<16xi1>
        tpu.vector_store_idx %arg12[%min3A_405], %and3A_378 masked %and3A_395 : memref<32xi32, #tpu.memory_space<vmem>>[vector<16xi32>], vector<16xi32>, vector<16xi1>
        %reduce_sum3A_406 = arith.constant true
        %reduce_sum3A_407 = vector.broadcast %reduce_sum3A_406 : i1 to vector<16xi1>
        %reduce_sum3A_408 = tpu.scan <sum>, %convert_element_type3A_396 masked %reduce_sum3A_407 : vector<16xi32>, vector<16xi1> -> vector<16xi32>
        %reduce_sum3A_409 = vector.extract %reduce_sum3A_408[15] : i32 from vector<16xi32>
        %add3A_410 = arith.addi %while3A_371, %reduce_sum3A_409 : i32
        %min3A_411 = arith.constant 16 : i32
        %min3A_412 = arith.minsi %add3A_410, %min3A_411 : i32
        scf.yield %min3A_412 : i32
      }
      %while3A_246 = arith.constant 1 : i32
      %while3A_247 = scf.for %while3A_370 = %while3A_243 to %while3A_239 step %while3A_246 iter_args(%while3A_371 = %while3A_245) -> (i32)  : i32 {
        %mul3A_372 = arith.constant 16 : i32
        %mul3A_373 = arith.muli %while3A_370, %mul3A_372 : i32
        %get3A_374 = arith.index_cast %mul3A_373 : i32 to index
        %get3A_375 = tpu.vector_load %arg10[%get3A_374] {strides = array<i32>} : memref<512xi32, #tpu.memory_space<vmem>>, vector<16xi32>,
        %and3A_376 = arith.constant 8191 : i32
        %and3A_377 = vector.broadcast %and3A_376 : i32 to vector<16xi32>
        %and3A_378 = arith.andi %get3A_375, %and3A_377 : vector<16xi32>
        %add3A_379 = vector.broadcast %mul3A_38 : i32 to vector<16xi32>
        %add3A_380 = arith.addi %add3A_379, %and3A_378 : vector<16xi32>
        %gather3A = tpu.vector_load_idx %arg4[%add3A_380] : memref<16384xf32, #tpu.memory_space<vmem>>[vector<16xi32>], vector<16xf32>,
        %gt3A = vector.broadcast %while3A_370 : i32 to vector<16xi32>
        %gt3A_381 = arith.cmpi sgt, %scan3A_151, %gt3A : vector<16xi32>
        %sub3A_382 = vector.broadcast %add3A_165 : f32 to vector<16xf32>
        %sub3A_383 = arith.subf %gather3A, %sub3A_382 : vector<16xf32>
        %mul3A_384 = vector.broadcast %while3A_235 : f32 to vector<16xf32>
        %mul3A_385 = arith.mulf %sub3A_383, %mul3A_384 : vector<16xf32>
        %convert_element_type3A_386 = arith.fptosi %mul3A_385 : vector<16xf32> to vector<16xi32>
        %jit3A_387 = arith.constant 0 : i32
        %jit3A_388 = arith.constant 15 : i32
        %max3A_389 = vector.broadcast %jit3A_387 : i32 to vector<16xi32>
        %max3A_390 = arith.maxsi %max3A_389, %convert_element_type3A_386 : vector<16xi32>
        %min3A_391 = vector.broadcast %jit3A_388 : i32 to vector<16xi32>
        %min3A_392 = arith.minsi %min3A_391, %max3A_390 : vector<16xi32>
        %eq3A_393 = vector.broadcast %reduce_max3A_212 : i32 to vector<16xi32>
        %eq3A_394 = arith.cmpi eq, %min3A_392, %eq3A_393 : vector<16xi32>
        %and3A_395 = arith.andi %gt3A_381, %eq3A_394 : vector<16xi1>
        %convert_element_type3A_396 = arith.extui %and3A_395 : vector<16xi1> to vector<16xi32>
        %broadcast_in_dim3A_397 = arith.constant true
        %broadcast_in_dim3A_398 = vector.broadcast %broadcast_in_dim3A_397 : i1 to vector<16xi1>
        %masked_cumsum3A_399 = tpu.scan <sum>, %convert_element_type3A_396 masked %broadcast_in_dim3A_398 : vector<16xi32>, vector<16xi1> -> vector<16xi32>
        %sub3A_400 = arith.subi %masked_cumsum3A_399, %convert_element_type3A_396 : vector<16xi32>
        %add3A_401 = vector.broadcast %while3A_371 : i32 to vector<16xi32>
        %add3A_402 = arith.addi %add3A_401, %sub3A_400 : vector<16xi32>
        %min3A_403 = arith.constant 31 : i32
        %min3A_404 = vector.broadcast %min3A_403 : i32 to vector<16xi32>
        %min3A_405 = arith.minsi %add3A_402, %min3A_404 : vector<16xi32>
        tpu.vector_store_idx %arg11[%min3A_405], %gather3A masked %and3A_395 : memref<32xf32, #tpu.memory_space<vmem>>[vector<16xi32>], vector<16xf32>, vector<16xi1>
        tpu.vector_store_idx %arg12[%min3A_405], %and3A_378 masked %and3A_395 : memref<32xi32, #tpu.memory_space<vmem>>[vector<16xi32>], vector<16xi32>, vector<16xi1>
        %reduce_sum3A_406 = arith.constant true
        %reduce_sum3A_407 = vector.broadcast %reduce_sum3A_406 : i1 to vector<16xi1>
        %reduce_sum3A_408 = tpu.scan <sum>, %convert_element_type3A_396 masked %reduce_sum3A_407 : vector<16xi32>, vector<16xi1> -> vector<16xi32>
        %reduce_sum3A_409 = vector.extract %reduce_sum3A_408[15] : i32 from vector<16xi32>
        %add3A_410 = arith.addi %while3A_371, %reduce_sum3A_409 : i32
        %min3A_411 = arith.constant 16 : i32
        %min3A_412 = arith.minsi %add3A_410, %min3A_411 : i32
        scf.yield %min3A_412 : i32
      }
      %get3A = arith.constant 0 : index
      %get3A_248 = tpu.vector_load %arg11[%get3A] {strides = array<i32>} : memref<32xf32, #tpu.memory_space<vmem>>, vector<16xf32>,
      %get3A_249 = arith.constant 0 : index
      %get3A_250 = tpu.vector_load %arg12[%get3A_249] {strides = array<i32>} : memref<32xi32, #tpu.memory_space<vmem>>, vector<16xi32>,
      %masked_sort3A = arith.constant dense<true> : vector<16xi1>
      %masked_sort3A_251, %masked_sort3A_252, %masked_sort3A_253 = tpu.sort %get3A_248, %get3A_250 masked %masked_sort3A {descending = true} : (vector<16xf32>, vector<16xi32>, vector<16xi1>) -> (vector<16xi1>, vector<16xf32>, vector<16xi32>)
      %sub3A_254 = vector.broadcast %reduce_max3A_74 : f32 to vector<16xf32>
      %sub3A_255 = arith.subf %masked_sort3A_252, %sub3A_254 : vector<16xf32>
      %exp3A = math.exp %sub3A_255 : vector<16xf32>
      %broadcast_in_dim3A_256 = arith.constant true
      %broadcast_in_dim3A_257 = vector.broadcast %broadcast_in_dim3A_256 : i1 to vector<16xi1>
      %masked_cumsum3A_258 = tpu.scan <sum>, %exp3A masked %broadcast_in_dim3A_257 : vector<16xf32>, vector<16xi1> -> vector<16xf32>
      %add3A_259 = vector.broadcast %add3A_223 : f32 to vector<16xf32>
      %add3A_260 = arith.addf %add3A_259, %masked_cumsum3A_258 : vector<16xf32>
      %ge3A_261 = vector.broadcast %mul3A_93 : f32 to vector<16xf32>
      %ge3A_262 = arith.cmpf oge, %add3A_260, %ge3A_261 : vector<16xf32>
      %jit3A_263 = arith.constant 15 : i32
      %broadcast_in_dim3A_264 = vector.broadcast %jit3A_263 : i32 to vector<16xi32>
      %select_n3A_265 = arith.select %ge3A_262, %iota3A, %broadcast_in_dim3A_264 : vector<16xi1>, vector<16xi32>
      %reduce_min3A = arith.constant true
      %reduce_min3A_266 = vector.broadcast %reduce_min3A : i1 to vector<16xi1>
      %reduce_min3A_267 = arith.constant -2147483648 : i32
      %reduce_min3A_268 = vector.broadcast %reduce_min3A_267 : i32 to vector<16xi32>
      %reduce_min3A_269 = arith.xori %select_n3A_265, %reduce_min3A_268 : vector<16xi32>
      %reduce_min3A_270 = tpu.scan <min>, %reduce_min3A_269 masked %reduce_min3A_266 : vector<16xi32>, vector<16xi1> -> vector<16xi32>
      %reduce_min3A_271 = arith.xori %reduce_min3A_270, %reduce_min3A_268 : vector<16xi32>
      %reduce_min3A_272 = vector.extract %reduce_min3A_271[15] : i32 from vector<16xi32>
      %sub3A_273 = arith.constant 1 : i32
      %sub3A_274 = arith.subi %while3A_247, %sub3A_273 : i32
      %min3A_275 = arith.minsi %reduce_min3A_272, %sub3A_274 : i32
      %jit3A_276 = arith.constant 0 : i32
      %jit3A_277 = arith.constant 15 : i32
      %max3A = arith.maxsi %jit3A_276, %min3A_275 : i32
      %min3A_278 = arith.minsi %jit3A_277, %max3A : i32
      %eq3A_279 = vector.broadcast %min3A_278 : i32 to vector<16xi32>
      %eq3A_280 = arith.cmpi eq, %iota3A, %eq3A_279 : vector<16xi32>
      %jit3A_281 = arith.constant 0.000000e+00 : f32
      %broadcast_in_dim3A_282 = vector.broadcast %jit3A_281 : f32 to vector<16xf32>
      %select_n3A_283 = arith.select %eq3A_280, %masked_sort3A_252, %broadcast_in_dim3A_282 : vector<16xi1>, vector<16xf32>
      %reduce_sum3A_284 = arith.constant true
      %reduce_sum3A_285 = vector.broadcast %reduce_sum3A_284 : i1 to vector<16xi1>
      %reduce_sum3A_286 = tpu.scan <sum>, %select_n3A_283 masked %reduce_sum3A_285 : vector<16xf32>, vector<16xi1> -> vector<16xf32>
      %reduce_sum3A_287 = vector.extract %reduce_sum3A_286[15] : f32 from vector<16xf32>
      %eq3A_288 = vector.broadcast %min3A_278 : i32 to vector<16xi32>
      %eq3A_289 = arith.cmpi eq, %iota3A, %eq3A_288 : vector<16xi32>
      %sub3A_290 = arith.subf %masked_cumsum3A_258, %exp3A : vector<16xf32>
      %jit3A_291 = arith.constant 0.000000e+00 : f32
      %broadcast_in_dim3A_292 = vector.broadcast %jit3A_291 : f32 to vector<16xf32>
      %select_n3A_293 = arith.select %eq3A_289, %sub3A_290, %broadcast_in_dim3A_292 : vector<16xi1>, vector<16xf32>
      %reduce_sum3A_294 = arith.constant true
      %reduce_sum3A_295 = vector.broadcast %reduce_sum3A_294 : i1 to vector<16xi1>
      %reduce_sum3A_296 = tpu.scan <sum>, %select_n3A_293 masked %reduce_sum3A_295 : vector<16xf32>, vector<16xi1> -> vector<16xf32>
      %reduce_sum3A_297 = vector.extract %reduce_sum3A_296[15] : f32 from vector<16xf32>
      %add3A_298 = arith.addf %add3A_223, %reduce_sum3A_297 : f32
      %broadcast_in_dim3A_299 = vector.broadcast %reduce_sum3A_287 : f32 to vector<16xf32>
      %sub3A_300 = vector.broadcast %reduce_max3A_74 : f32 to vector<16xf32>
      %sub3A_301 = arith.subf %broadcast_in_dim3A_299, %sub3A_300 : vector<16xf32>
      %exp3A_302 = math.exp %sub3A_301 : vector<16xf32>
      %sub3A_303 = arith.subf %mul3A_93, %add3A_298 : f32
      %div3A = vector.broadcast %sub3A_303 : f32 to vector<16xf32>
      %div3A_304 = arith.divf %div3A, %exp3A_302 : vector<16xf32>
      %reduce_max3A_305 = arith.constant true
      %reduce_max3A_306 = vector.broadcast %reduce_max3A_305 : i1 to vector<16xi1>
      %reduce_max3A_307 = tpu.scan <max>, %div3A_304 masked %reduce_max3A_306 : vector<16xf32>, vector<16xi1> -> vector<16xf32>
      %reduce_max3A_308 = vector.extract %reduce_max3A_307[15] : f32 from vector<16xf32>
      %convert_element_type3A_309 = arith.fptosi %reduce_max3A_308 : f32 to i32
      %convert_element_type3A_310 = arith.sitofp %convert_element_type3A_309 : i32 to f32
      %lt3A_311 = arith.cmpf olt, %convert_element_type3A_310, %reduce_max3A_308 : f32
      %convert_element_type3A_312 = arith.extui %lt3A_311 : i1 to i32
      %convert_element_type3A_313 = arith.sitofp %convert_element_type3A_312 : i32 to f32
      %add3A_314 = arith.addf %convert_element_type3A_310, %convert_element_type3A_313 : f32
      %eq3A_315 = vector.broadcast %reduce_sum3A_287 : f32 to vector<16xf32>
      %eq3A_316 = arith.cmpf oeq, %masked_sort3A_252, %eq3A_315 : vector<16xf32>
      %jit3A_317 = arith.constant 1048576 : i32
      %broadcast_in_dim3A_318 = vector.broadcast %jit3A_317 : i32 to vector<16xi32>
      %select_n3A_319 = arith.select %eq3A_316, %masked_sort3A_253, %broadcast_in_dim3A_318 : vector<16xi1>, vector<16xi32>
      %masked_sort3A_320 = arith.constant dense<true> : vector<16xi1>
      %masked_sort3A_321 = arith.constant -2147483648 : i32
      %masked_sort3A_322 = vector.broadcast %masked_sort3A_321 : i32 to vector<16xi32>
      %masked_sort3A_323 = arith.xori %select_n3A_319, %masked_sort3A_322 : vector<16xi32>
      %masked_sort3A_324, %masked_sort3A_325, %masked_sort3A_326 = tpu.sort %masked_sort3A_323, %select_n3A_319 masked %masked_sort3A_320 : (vector<16xi32>, vector<16xi32>, vector<16xi1>) -> (vector<16xi1>, vector<16xi32>, vector<16xi32>)
      %masked_sort3A_327 = arith.xori %masked_sort3A_325, %masked_sort3A_322 : vector<16xi32>
      %convert_element_type3A_328 = arith.fptosi %add3A_314 : f32 to i32
      %sub3A_329 = arith.constant 1 : i32
      %sub3A_330 = arith.subi %convert_element_type3A_328, %sub3A_329 : i32
      %jit3A_331 = arith.constant 0 : i32
      %jit3A_332 = arith.constant 15 : i32
      %max3A_333 = arith.maxsi %jit3A_331, %sub3A_330 : i32
      %min3A_334 = arith.minsi %jit3A_332, %max3A_333 : i32
      %eq3A_335 = vector.broadcast %min3A_334 : i32 to vector<16xi32>
      %eq3A_336 = arith.cmpi eq, %iota3A, %eq3A_335 : vector<16xi32>
      %jit3A_337 = arith.constant 0 : i32
      %broadcast_in_dim3A_338 = vector.broadcast %jit3A_337 : i32 to vector<16xi32>
      %select_n3A_339 = arith.select %eq3A_336, %masked_sort3A_327, %broadcast_in_dim3A_338 : vector<16xi1>, vector<16xi32>
      %reduce_sum3A_340 = arith.constant true
      %reduce_sum3A_341 = vector.broadcast %reduce_sum3A_340 : i1 to vector<16xi1>
      %reduce_sum3A_342 = tpu.scan <sum>, %select_n3A_339 masked %reduce_sum3A_341 : vector<16xi32>, vector<16xi1> -> vector<16xi32>
      %reduce_sum3A_343 = vector.extract %reduce_sum3A_342[15] : i32 from vector<16xi32>
      %scan3A_344 = arith.constant 0 : i32
      %scan3A_345 = arith.constant 0 : i32
      %scan3A_346 = arith.constant 128 : i32
      %scan3A_347 = arith.addi %scan3A_345, %scan3A_346 : i32
      %scan3A_348 = arith.constant 1 : i32
      scf.for %scan3A_370 = %scan3A_345 to %scan3A_347 step %scan3A_348  : i32 {
        %mul3A_371 = arith.constant 64 : i32
        %mul3A_372 = arith.muli %scan3A_370, %mul3A_371 : i32
        %add3A_373 = arith.constant 0 : i32
        %add3A_374 = arith.addi %mul3A_372, %add3A_373 : i32
        %add3A_375 = arith.addi %mul3A_38, %add3A_374 : i32
        %get3A_376 = arith.index_cast %add3A_375 : i32 to index
        %get3A_377 = tpu.vector_load %arg4[%get3A_376] {strides = array<i32>} : memref<16384xf32, #tpu.memory_space<vmem>>, vector<16xf32>,
        %mul3A_378 = arith.constant 4 : i32
        %mul3A_379 = arith.muli %scan3A_370, %mul3A_378 : i32
        %add3A_380 = arith.constant 0 : i32
        %add3A_381 = arith.addi %mul3A_379, %add3A_380 : i32
        %mul3A_382 = arith.constant 16 : i32
        %mul3A_383 = arith.muli %add3A_381, %mul3A_382 : i32
        %add3A_384 = vector.broadcast %mul3A_383 : i32 to vector<16xi32>
        %add3A_385 = arith.addi %add3A_384, %iota3A : vector<16xi32>
        %gt3A = vector.broadcast %reduce_sum3A_287 : f32 to vector<16xf32>
        %gt3A_386 = arith.cmpf ogt, %get3A_377, %gt3A : vector<16xf32>
        %eq3A_387 = vector.broadcast %reduce_sum3A_287 : f32 to vector<16xf32>
        %eq3A_388 = arith.cmpf oeq, %get3A_377, %eq3A_387 : vector<16xf32>
        %le3A = vector.broadcast %reduce_sum3A_343 : i32 to vector<16xi32>
        %le3A_389 = arith.cmpi sle, %add3A_385, %le3A : vector<16xi32>
        %and3A_390 = arith.andi %eq3A_388, %le3A_389 : vector<16xi1>
        %or3A = arith.ori %gt3A_386, %and3A_390 : vector<16xi1>
        %max3A_391 = arith.constant 0.000000e+00 : f32
        %max3A_392 = vector.broadcast %max3A_391 : f32 to vector<16xf32>
        %max3A_393 = arith.maximumf %get3A_377, %max3A_392 : vector<16xf32>
        %jit3A_394 = arith.constant 0.000000e+00 : f32
        %broadcast_in_dim3A_395 = vector.broadcast %jit3A_394 : f32 to vector<16xf32>
        %select_n3A_396 = arith.select %or3A, %max3A_393, %broadcast_in_dim3A_395 : vector<16xi1>, vector<16xf32>
        %add3A_397 = arith.addi %mul3A_38, %add3A_374 : i32
        %swap3A_398 = arith.index_cast %add3A_397 : i32 to index
        %swap3A_399 = tpu.vector_load %arg5[%swap3A_398] {strides = array<i32>} : memref<16384xf32, #tpu.memory_space<vmem>>, vector<16xf32>,
        tpu.vector_store %arg5[%swap3A_398], %select_n3A_396 {strides = array<i32>} : memref<16384xf32, #tpu.memory_space<vmem>>, vector<16xf32>,
        %mul3A_400 = arith.constant 64 : i32
        %mul3A_401 = arith.muli %scan3A_370, %mul3A_400 : i32
        %add3A_402 = arith.constant 16 : i32
        %add3A_403 = arith.addi %mul3A_401, %add3A_402 : i32
        %add3A_404 = arith.addi %mul3A_38, %add3A_403 : i32
        %get3A_405 = arith.index_cast %add3A_404 : i32 to index
        %get3A_406 = tpu.vector_load %arg4[%get3A_405] {strides = array<i32>} : memref<16384xf32, #tpu.memory_space<vmem>>, vector<16xf32>,
        %mul3A_407 = arith.constant 4 : i32
        %mul3A_408 = arith.muli %scan3A_370, %mul3A_407 : i32
        %add3A_409 = arith.constant 1 : i32
        %add3A_410 = arith.addi %mul3A_408, %add3A_409 : i32
        %mul3A_411 = arith.constant 16 : i32
        %mul3A_412 = arith.muli %add3A_410, %mul3A_411 : i32
        %add3A_413 = vector.broadcast %mul3A_412 : i32 to vector<16xi32>
        %add3A_414 = arith.addi %add3A_413, %iota3A : vector<16xi32>
        %gt3A_415 = vector.broadcast %reduce_sum3A_287 : f32 to vector<16xf32>
        %gt3A_416 = arith.cmpf ogt, %get3A_406, %gt3A_415 : vector<16xf32>
        %eq3A_417 = vector.broadcast %reduce_sum3A_287 : f32 to vector<16xf32>
        %eq3A_418 = arith.cmpf oeq, %get3A_406, %eq3A_417 : vector<16xf32>
        %le3A_419 = vector.broadcast %reduce_sum3A_343 : i32 to vector<16xi32>
        %le3A_420 = arith.cmpi sle, %add3A_414, %le3A_419 : vector<16xi32>
        %and3A_421 = arith.andi %eq3A_418, %le3A_420 : vector<16xi1>
        %or3A_422 = arith.ori %gt3A_416, %and3A_421 : vector<16xi1>
        %max3A_423 = arith.constant 0.000000e+00 : f32
        %max3A_424 = vector.broadcast %max3A_423 : f32 to vector<16xf32>
        %max3A_425 = arith.maximumf %get3A_406, %max3A_424 : vector<16xf32>
        %jit3A_426 = arith.constant 0.000000e+00 : f32
        %broadcast_in_dim3A_427 = vector.broadcast %jit3A_426 : f32 to vector<16xf32>
        %select_n3A_428 = arith.select %or3A_422, %max3A_425, %broadcast_in_dim3A_427 : vector<16xi1>, vector<16xf32>
        %add3A_429 = arith.addi %mul3A_38, %add3A_403 : i32
        %swap3A_430 = arith.index_cast %add3A_429 : i32 to index
        %swap3A_431 = tpu.vector_load %arg5[%swap3A_430] {strides = array<i32>} : memref<16384xf32, #tpu.memory_space<vmem>>, vector<16xf32>,
        tpu.vector_store %arg5[%swap3A_430], %select_n3A_428 {strides = array<i32>} : memref<16384xf32, #tpu.memory_space<vmem>>, vector<16xf32>,
        %mul3A_432 = arith.constant 64 : i32
        %mul3A_433 = arith.muli %scan3A_370, %mul3A_432 : i32
        %add3A_434 = arith.constant 32 : i32
        %add3A_435 = arith.addi %mul3A_433, %add3A_434 : i32
        %add3A_436 = arith.addi %mul3A_38, %add3A_435 : i32
        %get3A_437 = arith.index_cast %add3A_436 : i32 to index
        %get3A_438 = tpu.vector_load %arg4[%get3A_437] {strides = array<i32>} : memref<16384xf32, #tpu.memory_space<vmem>>, vector<16xf32>,
        %mul3A_439 = arith.constant 4 : i32
        %mul3A_440 = arith.muli %scan3A_370, %mul3A_439 : i32
        %add3A_441 = arith.constant 2 : i32
        %add3A_442 = arith.addi %mul3A_440, %add3A_441 : i32
        %mul3A_443 = arith.constant 16 : i32
        %mul3A_444 = arith.muli %add3A_442, %mul3A_443 : i32
        %add3A_445 = vector.broadcast %mul3A_444 : i32 to vector<16xi32>
        %add3A_446 = arith.addi %add3A_445, %iota3A : vector<16xi32>
        %gt3A_447 = vector.broadcast %reduce_sum3A_287 : f32 to vector<16xf32>
        %gt3A_448 = arith.cmpf ogt, %get3A_438, %gt3A_447 : vector<16xf32>
        %eq3A_449 = vector.broadcast %reduce_sum3A_287 : f32 to vector<16xf32>
        %eq3A_450 = arith.cmpf oeq, %get3A_438, %eq3A_449 : vector<16xf32>
        %le3A_451 = vector.broadcast %reduce_sum3A_343 : i32 to vector<16xi32>
        %le3A_452 = arith.cmpi sle, %add3A_446, %le3A_451 : vector<16xi32>
        %and3A_453 = arith.andi %eq3A_450, %le3A_452 : vector<16xi1>
        %or3A_454 = arith.ori %gt3A_448, %and3A_453 : vector<16xi1>
        %max3A_455 = arith.constant 0.000000e+00 : f32
        %max3A_456 = vector.broadcast %max3A_455 : f32 to vector<16xf32>
        %max3A_457 = arith.maximumf %get3A_438, %max3A_456 : vector<16xf32>
        %jit3A_458 = arith.constant 0.000000e+00 : f32
        %broadcast_in_dim3A_459 = vector.broadcast %jit3A_458 : f32 to vector<16xf32>
        %select_n3A_460 = arith.select %or3A_454, %max3A_457, %broadcast_in_dim3A_459 : vector<16xi1>, vector<16xf32>
        %add3A_461 = arith.addi %mul3A_38, %add3A_435 : i32
        %swap3A_462 = arith.index_cast %add3A_461 : i32 to index
        %swap3A_463 = tpu.vector_load %arg5[%swap3A_462] {strides = array<i32>} : memref<16384xf32, #tpu.memory_space<vmem>>, vector<16xf32>,
        tpu.vector_store %arg5[%swap3A_462], %select_n3A_460 {strides = array<i32>} : memref<16384xf32, #tpu.memory_space<vmem>>, vector<16xf32>,
        %mul3A_464 = arith.constant 64 : i32
        %mul3A_465 = arith.muli %scan3A_370, %mul3A_464 : i32
        %add3A_466 = arith.constant 48 : i32
        %add3A_467 = arith.addi %mul3A_465, %add3A_466 : i32
        %add3A_468 = arith.addi %mul3A_38, %add3A_467 : i32
        %get3A_469 = arith.index_cast %add3A_468 : i32 to index
        %get3A_470 = tpu.vector_load %arg4[%get3A_469] {strides = array<i32>} : memref<16384xf32, #tpu.memory_space<vmem>>, vector<16xf32>,
        %mul3A_471 = arith.constant 4 : i32
        %mul3A_472 = arith.muli %scan3A_370, %mul3A_471 : i32
        %add3A_473 = arith.constant 3 : i32
        %add3A_474 = arith.addi %mul3A_472, %add3A_473 : i32
        %mul3A_475 = arith.constant 16 : i32
        %mul3A_476 = arith.muli %add3A_474, %mul3A_475 : i32
        %add3A_477 = vector.broadcast %mul3A_476 : i32 to vector<16xi32>
        %add3A_478 = arith.addi %add3A_477, %iota3A : vector<16xi32>
        %gt3A_479 = vector.broadcast %reduce_sum3A_287 : f32 to vector<16xf32>
        %gt3A_480 = arith.cmpf ogt, %get3A_470, %gt3A_479 : vector<16xf32>
        %eq3A_481 = vector.broadcast %reduce_sum3A_287 : f32 to vector<16xf32>
        %eq3A_482 = arith.cmpf oeq, %get3A_470, %eq3A_481 : vector<16xf32>
        %le3A_483 = vector.broadcast %reduce_sum3A_343 : i32 to vector<16xi32>
        %le3A_484 = arith.cmpi sle, %add3A_478, %le3A_483 : vector<16xi32>
        %and3A_485 = arith.andi %eq3A_482, %le3A_484 : vector<16xi1>
        %or3A_486 = arith.ori %gt3A_480, %and3A_485 : vector<16xi1>
        %max3A_487 = arith.constant 0.000000e+00 : f32
        %max3A_488 = vector.broadcast %max3A_487 : f32 to vector<16xf32>
        %max3A_489 = arith.maximumf %get3A_470, %max3A_488 : vector<16xf32>
        %jit3A_490 = arith.constant 0.000000e+00 : f32
        %broadcast_in_dim3A_491 = vector.broadcast %jit3A_490 : f32 to vector<16xf32>
        %select_n3A_492 = arith.select %or3A_486, %max3A_489, %broadcast_in_dim3A_491 : vector<16xi1>, vector<16xf32>
        %add3A_493 = arith.addi %mul3A_38, %add3A_467 : i32
        %swap3A_494 = arith.index_cast %add3A_493 : i32 to index
        %swap3A_495 = tpu.vector_load %arg5[%swap3A_494] {strides = array<i32>} : memref<16384xf32, #tpu.memory_space<vmem>>, vector<16xf32>,
        tpu.vector_store %arg5[%swap3A_494], %select_n3A_492 {strides = array<i32>} : memref<16384xf32, #tpu.memory_space<vmem>>, vector<16xf32>,
      }
      %scan3A_349 = arith.constant 128 : i32
      %ge3A_350 = arith.constant 1 : i32
      %ge3A_351 = arith.cmpi sge, %scan3A_35, %ge3A_350 : i32
      %convert_element_type3A_352 = arith.extui %ge3A_351 : i1 to i32
      %cond3A_353 = arith.constant 0 : i32
      %cond3A_354 = arith.cmpi ne, %convert_element_type3A_352, %cond3A_353 : i32
      scf.if %cond3A_354 {
        %sub3A_370 = arith.constant 1 : i32
        %sub3A_371 = arith.subi %scan3A_35, %sub3A_370 : i32
        %and3A_372 = arith.constant 1 : i32
        %and3A_373 = arith.andi %sub3A_371, %and3A_372 : i32
        %mul3A_374 = arith.constant 8192 : i32
        %mul3A_375 = arith.muli %and3A_373, %mul3A_374 : i32
        %mul3A_376 = arith.constant 4 : i32
        %mul3A_377 = arith.muli %add3A, %mul3A_376 : i32
        %add3A_378 = arith.addi %mul3A_377, %sub3A_371 : i32
        %dma_wait3A_379 = tpu.memref_slice %arg5[%mul3A_375] : memref<16384xf32, #tpu.memory_space<vmem>> -> memref<8192xf32, #tpu.memory_space<vmem>>
        %dma_wait3A_380 = arith.constant 0 : i32
        %dma_wait3A_381 = tpu.memref_slice %arg3[%add3A_378, %dma_wait3A_380] : memref<128x8192xf32, #tpu.memory_space<hbm>> -> memref<1x8192xf32, #tpu.memory_space<hbm>>
        %dma_wait3A_382 = tpu.memref_squeeze %dma_wait3A_381 : memref<1x8192xf32, #tpu.memory_space<hbm>> -> memref<8192xf32, #tpu.memory_space<hbm>>
        %dma_wait3A_383 = arith.constant 0 : i32
        %dma_wait3A_384 = tpu.memref_slice %arg3[%add3A_378, %dma_wait3A_383] : memref<128x8192xf32, #tpu.memory_space<hbm>> -> memref<1x8192xf32, #tpu.memory_space<hbm>>
        %dma_wait3A_385 = tpu.memref_squeeze %dma_wait3A_384 : memref<1x8192xf32, #tpu.memory_space<hbm>> -> memref<8192xf32, #tpu.memory_space<hbm>>
        %dma_wait3A_386 = tpu.memref_slice %arg5[%mul3A_375] : memref<16384xf32, #tpu.memory_space<vmem>> -> memref<8192xf32, #tpu.memory_space<vmem>>
        tpu.wait_dma2 semaphore(%arg7 : memref<!tpu.dma_semaphore, #tpu.memory_space<semaphore_mem>>) src(%dma_wait3A_386 : memref<8192xf32, #tpu.memory_space<vmem>>) dst(%dma_wait3A_385 : memref<8192xf32, #tpu.memory_space<hbm>>)
      } else {
      }
      %and3A_355 = arith.constant 1 : i32
      %and3A_356 = arith.andi %scan3A_35, %and3A_355 : i32
      %mul3A_357 = arith.constant 8192 : i32
      %mul3A_358 = arith.muli %and3A_356, %mul3A_357 : i32
      %mul3A_359 = arith.constant 4 : i32
      %mul3A_360 = arith.muli %add3A, %mul3A_359 : i32
      %add3A_361 = arith.addi %mul3A_360, %scan3A_35 : i32
      %dma_start3A_362 = tpu.memref_slice %arg5[%mul3A_358] : memref<16384xf32, #tpu.memory_space<vmem>> -> memref<8192xf32, #tpu.memory_space<vmem>>
      %dma_start3A_363 = arith.constant 0 : i32
      %dma_start3A_364 = tpu.memref_slice %arg3[%add3A_361, %dma_start3A_363] : memref<128x8192xf32, #tpu.memory_space<hbm>> -> memref<1x8192xf32, #tpu.memory_space<hbm>>
      %dma_start3A_365 = tpu.memref_squeeze %dma_start3A_364 : memref<1x8192xf32, #tpu.memory_space<hbm>> -> memref<8192xf32, #tpu.memory_space<hbm>>
      %dma_start3A_366 = arith.constant 0 : i32
      %dma_start3A_367 = tpu.memref_slice %arg3[%add3A_361, %dma_start3A_366] : memref<128x8192xf32, #tpu.memory_space<hbm>> -> memref<1x8192xf32, #tpu.memory_space<hbm>>
      %dma_start3A_368 = tpu.memref_squeeze %dma_start3A_367 : memref<1x8192xf32, #tpu.memory_space<hbm>> -> memref<8192xf32, #tpu.memory_space<hbm>>
      %dma_start3A_369 = tpu.memref_slice %arg5[%mul3A_358] : memref<16384xf32, #tpu.memory_space<vmem>> -> memref<8192xf32, #tpu.memory_space<vmem>>
      tpu.enqueue_dma source(%dma_start3A_369 : memref<8192xf32, #tpu.memory_space<vmem>>) target(%dma_start3A_368 : memref<8192xf32, #tpu.memory_space<hbm>>) target_semaphore(%arg7 : memref<!tpu.dma_semaphore, #tpu.memory_space<semaphore_mem>>)
    }
    %scan3A_21 = arith.constant 4 : i32
    %mul3A_22 = arith.constant 4 : i32
    %mul3A_23 = arith.muli %add3A, %mul3A_22 : i32
    %add3A_24 = arith.constant 3 : i32
    %add3A_25 = arith.addi %mul3A_23, %add3A_24 : i32
    %dma_wait3A = arith.constant 8192 : i32
    %dma_wait3A_26 = tpu.memref_slice %arg5[%dma_wait3A] : memref<16384xf32, #tpu.memory_space<vmem>> -> memref<8192xf32, #tpu.memory_space<vmem>>
    %dma_wait3A_27 = arith.constant 0 : i32
    %dma_wait3A_28 = tpu.memref_slice %arg3[%add3A_25, %dma_wait3A_27] : memref<128x8192xf32, #tpu.memory_space<hbm>> -> memref<1x8192xf32, #tpu.memory_space<hbm>>
    %dma_wait3A_29 = tpu.memref_squeeze %dma_wait3A_28 : memref<1x8192xf32, #tpu.memory_space<hbm>> -> memref<8192xf32, #tpu.memory_space<hbm>>
    %dma_wait3A_30 = arith.constant 0 : i32
    %dma_wait3A_31 = tpu.memref_slice %arg3[%add3A_25, %dma_wait3A_30] : memref<128x8192xf32, #tpu.memory_space<hbm>> -> memref<1x8192xf32, #tpu.memory_space<hbm>>
    %dma_wait3A_32 = tpu.memref_squeeze %dma_wait3A_31 : memref<1x8192xf32, #tpu.memory_space<hbm>> -> memref<8192xf32, #tpu.memory_space<hbm>>
    %dma_wait3A_33 = arith.constant 8192 : i32
    %dma_wait3A_34 = tpu.memref_slice %arg5[%dma_wait3A_33] : memref<16384xf32, #tpu.memory_space<vmem>> -> memref<8192xf32, #tpu.memory_space<vmem>>
    tpu.wait_dma2 semaphore(%arg7 : memref<!tpu.dma_semaphore, #tpu.memory_space<semaphore_mem>>) src(%dma_wait3A_34 : memref<8192xf32, #tpu.memory_space<vmem>>) dst(%dma_wait3A_32 : memref<8192xf32, #tpu.memory_space<hbm>>)
    return
  }
}

</mosaic_0001>

<sc_bundles>
// kernel: kernel.3.cloned.1.call-start
scs
__scs_entry_jumppad:
0x0: {  	(pc) =	sbr.rel $0x88, $3  }
0x1: {  	(tag) =	ssettag $0x0;
	lr =	simm.s32 $0x1  }
0x2: {  	[smem:$0x3FA0] =	sst lr;
	_ =	strace $0xD0000000  }
0x3: {  	_ = 	snop  }
0x4: {  	_ = 	snop  }
0x5: {  	_ = 	snop  }
0x6: {  	_ = 	snop  }
0x7: {  	_ = 	snop  }
__scs_overlays_trampoline_lowered:
0x8: {  	[smem:$0x3FAF] =	sst s0  }
0x9: {  	[smem:$0x3FB0] =	sst s1  }
0xa: {  	[smem:$0x3FB1] =	sst s2  }
0xb: {  	[smem:$0x3FB2] =	sst s3  }
0xc: {  	[smem:$0x3FB3] =	sst s4  }
0xd: {  	[smem:$0x3FB4] =	sst s5  }
0xe: {  	[smem:$0x3FB5] =	sst s6  }
0xf: {  	[smem:$0x3FB6] =	sst s7  }
0x10: {  	[smem:$0x3FB7] =	sst s8  }
0x11: {  	[smem:$0x3FB8] =	sst s9;
	s0 =	simm.s32 @!p0 $0x0  }
0x12: {  	s1 =	sld [smem:$0x3F9E];
	s0 =	simm.s32 @p0 $0x1  }
0x13: {  	[smem:$0x3FB9] =	sst s0;
	s0 =	simm.s32 @!p1 $0x0  }
0x14: {  	s2 =	sld [smem:$0x3F9D];
	s0 =	simm.s32 @p1 $0x1  }
0x15: {  	[smem:$0x3FBA] =	sst s0;
	s0 =	simm.s32 @!p2 $0x0  }
0x16: {  	s3 =	sld [smem:$0x3FDB];
	s0 =	simm.s32 @p2 $0x1  }
0x17: {  	s4 =	simm.s32 $0x1BF5;
	[smem:$0x3FBC] =	sst s0  }
0x18: {  	s0 =	sld [smem:$0x3F9F];
	_ =	swait.ge [sflag:s4], $0x0  }
0x19: {  	s7 =	sld [smem:$0x3FA0]  }
0x1a: {  	s8 =	sadd.s32 $0xFFFFE003, lr  }
0x1b: {  	s9 =	sadd.s32 $0xFFFFFEF7, lr;
	s5 =	simm.s32 $0xFFFFFFFF;
	p2 =	slt.u32 s8, $0xFFFFF086  }
0x1c: {  	p1 =	slt.u32 s9, $0xF7A;
	s5 =	simm.s32 @!p2 $0x0  }
0x1d: {  	s5 =	simm.s32 @p1 $0x1;
	p0 =	seq.s32 s7, s2  }
0x1e: {  	s7 =	smul.u32 @!p0 $0xF7A, s2;
	p2 =	seq.s32 @!p0 s5, $0x0  }
0x1f: {  	s9 =	smul.u32 $0xF7A, s1;
	s8 =	simm.s32 @!p0 $0x1BF5;
	p2 =	por !p2, p0  }
0x20: {  	[sflag:s8] =	ssyncset.s32 @!p0 $0xFFFFF086;
	s6 =	sadd.s32 @!p0 s3, s7;
	s7 =	simm.s32 @!p0 $0x108  }
0x21: {  	s3 =	sadd.s32 s3, s9;
	s6 =	sadd.s32 @!p0 $0x88, s6;
	s7 =	simm.s32 @p2 $0x1082  }
0x22: {  	[simem:s7], [sflag:s8] =	dma.local @!p0 [hbm:s6], $0xF7A  }
0x23: {  	s9 =	sor.u32 $0xD0000000, s2;
	s6 =	simm.s32 $0x108;
	_ =	swait.ge @!p0 [sflag:s8], $0x0  }
0x24: {  	s3 =	sadd.s32 $0x88, s3;
	s6 =	simm.s32 @!p1 $0x1082;
	[sflag:s4] =	ssyncset.s32 $0xFFFFF086  }
0x25: {  	[simem:s6], [sflag:s4] =	dma.local [hbm:s3], $0xF7A  }
0x26: {  	[smem:$0x3FA0] =	sst s1;
	(tag) =	ssettag s2;
	_ =	strace s9  }
0x27: {  	s1 =	sld [smem:$0x3FB0]  }
0x28: {  	s2 =	sld [smem:$0x3FB1]  }
0x29: {  	s4 =	sld [smem:$0x3FB3]  }
0x2a: {  	p0 =	seq.s32 s5, $0x0;
	s5 =	sld [smem:$0x3FB4]  }
0x2b: {  	s6 =	sld [smem:$0x3FB5]  }
0x2c: {  	s7 =	sld [smem:$0x3FB6]  }
0x2d: {  	s3 =	simm.s32 $0x108;
	s8 =	sld [smem:$0x3FB7]  }
0x2e: {  	s3 =	simm.s32 @!p0 $0x1082;
	s9 =	sld [smem:$0x3FB8]  }
0x2f: {  	lr =	sadd.s32 s0, s3;
	s0 =	sld [smem:$0x3FAF]  }
0x30: {  	s3 =	sld [smem:$0x3FB2]  }
0x31: {  	[smem:$0x3FBB] =	sst s10  }
0x32: {  	s10 =	sld [smem:$0x3FB9];
	_ =	sdelay $0x3  }
0x33: {  	p0 =	seq.s32 s10, $0x1;
	s10 =	sld [smem:$0x3FBB];
	_ =	sdelay $0x3  }
0x34: {  	[smem:$0x3FBB] =	sst s10  }
0x35: {  	s10 =	sld [smem:$0x3FBA];
	_ =	sdelay $0x3  }
0x36: {  	p1 =	seq.s32 s10, $0x1;
	s10 =	sld [smem:$0x3FBB];
	_ =	sdelay $0x3  }
0x37: {  	[smem:$0x3FBB] =	sst s10  }
0x38: {  	s10 =	sld [smem:$0x3FBC]  }
0x39: {  	_ = 	snop;
	(pc) =	sbr.ind lr, $3  }
0x3a: {  	_ = 	snop  }
0x3b: {  	_ = 	snop  }
0x3c: {  	p2 =	seq.s32 s10, $0x1;
	s10 =	sld [smem:$0x3FBB]  }
0x3d: {  	_ =	shalt  }
0x3e: {  	_ =	shalt  }
0x3f: {  	_ =	shalt  }
0x40: {  	_ =	shalt  }
0x41: {  	_ =	shalt  }
0x42: {  	_ =	shalt  }
0x43: {  	_ =	shalt  }
0x44: {  	_ =	shalt  }
0x45: {  	_ =	shalt  }
0x46: {  	_ =	shalt  }
0x47: {  	_ =	shalt  }
0x48: {  	_ =	shalt  }
0x49: {  	_ =	shalt  }
0x4a: {  	_ =	shalt  }
0x4b: {  	_ =	shalt  }
0x4c: {  	_ =	shalt  }
0x4d: {  	_ =	shalt  }
0x4e: {  	_ =	shalt  }
0x4f: {  	_ =	shalt  }
0x50: {  	_ =	shalt  }
0x51: {  	_ =	shalt  }
0x52: {  	_ =	shalt  }
0x53: {  	_ =	shalt  }
0x54: {  	_ =	shalt  }
0x55: {  	_ =	shalt  }
0x56: {  	_ =	shalt  }
0x57: {  	_ =	shalt  }
0x58: {  	_ =	shalt  }
0x59: {  	_ =	shalt  }
0x5a: {  	_ =	shalt  }
0x5b: {  	_ =	shalt  }
0x5c: {  	_ =	shalt  }
0x5d: {  	_ =	shalt  }
0x5e: {  	_ =	shalt  }
0x5f: {  	_ =	shalt  }
0x60: {  	_ =	shalt  }
0x61: {  	_ =	shalt  }
0x62: {  	_ =	shalt  }
0x63: {  	_ =	shalt  }
0x64: {  	_ =	shalt  }
0x65: {  	_ =	shalt  }
0x66: {  	_ =	shalt  }
0x67: {  	_ =	shalt  }
0x68: {  	_ =	shalt  }
0x69: {  	_ =	shalt  }
0x6a: {  	_ =	shalt  }
0x6b: {  	_ =	shalt  }
0x6c: {  	_ =	shalt  }
0x6d: {  	_ =	shalt  }
0x6e: {  	_ =	shalt  }
0x6f: {  	_ =	shalt  }
0x70: {  	_ =	shalt  }
0x71: {  	_ =	shalt  }
0x72: {  	_ =	shalt  }
0x73: {  	_ =	shalt  }
0x74: {  	_ =	shalt  }
0x75: {  	_ =	shalt  }
0x76: {  	_ =	shalt  }
0x77: {  	_ =	shalt  }
0x78: {  	_ =	shalt  }
0x79: {  	_ =	shalt  }
0x7a: {  	_ =	shalt  }
0x7b: {  	_ =	shalt  }
0x7c: {  	_ =	shalt  }
0x7d: {  	_ =	shalt  }
0x7e: {  	_ =	shalt  }
0x7f: {  	_ =	shalt  }
0x80: {  	_ =	shalt  }
0x81: {  	_ =	shalt  }
0x82: {  	_ =	shalt  }
0x83: {  	_ =	shalt  }
0x84: {  	_ =	shalt  }
0x85: {  	_ =	shalt  }
0x86: {  	_ =	shalt  }
0x87: {  	_ =	shalt  }
.Lfunc_end0:
.L_simem_size_0:
called_computation_lowered:
.L_overlay_start_0:
0x88: {  	s2 =	sld [smem:$0x3FD9]  }
0x89: {  	s3 =	sld [smem:$0x3FFE];
	_ =	sdelay $0x1  }
0x8a: {  	s1 =	srdreg.scid  }
0x8b: {  	s0 =	sand.u32 $0x1, s1  }
0x8c: {  	s18 =	sshll.u32 s0, $0xA;
	s2 =	sadd.s32 s3, s2  }
0x8d: {  	s2 =	sadd.s32 s2, s18  }
0x8e: {  	[smem:$0x3FC7] =	sst s2  }
0x8f: {  	_ = 	snop  }
0x90: {  	s2 =	sld [smem:$0x3FC9]  }
0x91: {  	s19 =	sld [smem:$0x3FD0];
	(tm) =	ssettm $0x1  }
0x92: {  	s4 =	sld [smem:$0x3FFB];
	_ =	sdelay $0x3  }
0x93: {  	_ =	strace s4  }
0x94: {  	s4 =	sld [smem:$0x3FFC];
	_ =	sdelay $0x3  }
0x95: {  	_ =	strace s4  }
0x96: {  	s4 =	sld [smem:$0x3FFD];
	_ =	sdelay $0x3  }
0x97: {  	_ =	strace s4  }
0x98: {  	_ =	strace $0x8FFFFFFF  }
0x99: {  	s20 =	sld [smem:$0x3FDB];
	_ =	sdelay $0x1  }
0x9a: {  	s5 =	simm.s32 $_scs_section_size  }
0x9b: {  	s6 =	simm.s32 $_size__tile_overlayer_lowered;
	s7 =	simm.s32 $_tile_overlayer_lowered  }
0x9c: {  	s23 =	simm.s32 $0x1BFF;
	s22 =	sshll.u32 s7, $0x1;
	s4 =	sadd.s32 s5, s20  }
0x9d: {  	s8 =	simm.s32 $0x0;
	s21 =	sshll.u32 s6, $0x1;
	s6 =	sadd.s32 s22, s4  }
0x9e: {  	[timem:s8], [sflag:s23] =	dma.local [hbm:s6], s21  }
0x9f: {  	_ =	swait.ge [sflag:s23], s21  }
0xa0: {  	s5 =	ssub.s32 $0x0, s21;
	[sflag:s23] =	ssyncset.done $0x0  }
0xa1: {  	[sflag:s23] =	ssyncadd.s32 s5;
	_ =	sdelay $0x1  }
0xa2: {  	s24 =	simm.s32 $0x1B8B  }
0xa3: {  	_ =	swait.ge [sflag:s24], $0x1  }
0xa4: {  	[sflag:s24] =	ssyncset.done $0x0  }
0xa5: {  	s25 =	simm.s32 $0x1B8E;
	[sflag:s24] =	ssyncadd.s32 $0xFFFFFFFF  }
0xa6: {  	s26 =	simm.s32 $execute0_lowered;
	[smem:$0x3FD2] =	sst s25  }
0xa7: {  	s5 =	sshll.u32 s26, $0x1;
	_ =	strace $0x80000046;
	[dreg:$0x1] =	wrdreg $0xFFFFFFFF  }
0xa8: {  	s28 =	simm.s32 $_size_execute0_lowered;
	s4 =	sadd.s32 s4, s5;
	[dreg:$0x0] =	wrdreg $0x0  }
0xa9: {  	s5 =	sshll.u32 s28, $0x1;
	[dreg:$0x2] =	wrdreg s4  }
0xaa: {  	[dreg:$0x3] =	wrdreg s5  }
0xab: {  	[dreg:$0x4] =	wrdreg $0xC0  }
0xac: {  	_ =	task [dreg:s8], $0x5FFFF  }
0xad: {  	[dreg:$0x1] =	wrdreg $0xFFFFFFFF  }
0xae: {  	[dreg:$0x0] =	wrdreg $0x60  }
0xaf: {  	[dreg:$0x2] =	wrdreg s2  }
0xb0: {  	[dreg:$0x3] =	wrdreg s19  }
0xb1: {  	[dreg:$0x4] =	wrdreg $0x9  }
0xb2: {  	_ =	task.clear_ibuf [dreg:s8], $0x5FFFF;
	_ =	strace $0x90000046  }
0xb3: {  	s29 =	simm.s32 $0x9;
	_ =	strace $0x80000048  }
0xb4: {  	_ =	swait.ge [sflag:s29], $0x1  }
0xb5: {  	[sflag:s29] =	ssyncadd.s32 $0xFFFFFFFF  }
0xb6: {  	_ =	strace $0x90000048  }
0xb7: {  	_ =	sfence  }
0xb8: {  	s30 =	sld [smem:$0x0];
	_ =	sdelay $0x2  }
0xb9: {  	s31 =	sshll.u32 s1, $0xD;
	s1 =	sshrl.u32 s1, $0x2  }
0xba: {  	s3 =	sand.u32 $0x4000, s31;
	s1 =	sadd.s32 s1, s30  }
0xbb: {  	s0 =	sor.u32 s3, s0;
	s1 =	sshll.u32 s1, $0x11  }
0xbc: {  	s0 =	sor.u32 s1, s0  }
0xbd: {  	s0 =	sadd.s32 $0x8F2B, s0  }
0xbe: {  	[sflag:s0] =	ssyncadd.remote.s32 $0x1  }
0xbf: {  	_ =	sfence.sel $0xFFFF  }
0xc0: {  	[dreg:$0x0] =	wrdreg $0xFFFFFFFF;
	(pc) =	sbr.abs _section_cstart, $3  }
0xc1: {  	[dreg:$0x1] =	wrdreg $0xFFFFFFFF  }
0xc2: {  	_ =	task.clear_ibuf [dreg:s8], $0x2FFFF;
	_ =	strace $0x9FFFFFFF  }
0xc3: {  	(tm) =	ssettm $0x7FFFFFFF  }
tec
execute0_lowered:
.L_overlay_start_1:
0x0: {  	(tag) =	ssettag $0x1  }
0x1: {  	s1 =	rddreg [dreg:$0x0]  }
0x2: {  	s0 =	rddreg [dreg:$0x1]  }
0x3: {  	s2 =	simm.s32 $0x0;
	s3 =	srdreg.scid;
	s9 =	stileid.u32  }
0x4: {  	s10 =	simm.s32 $0x400;
	s11 =	simm.s32 $0x1;
	s12 =	simm.s32 $0x8000  }
0x5: {  	s13 =	simm.s32 $0xC000;
	s14 =	simm.s32 $0xC800;
	s15 =	simm.s32 $0xCA00  }
0x6: {  	s16 =	simm.s32 $0xCA80;
	s18 =	simm.s32 $0x0;
	[smem:$0x7FF] =	sst s2  }
0x7: {  	s3 =	sand.u32 $0x1, s3;
	s7 =	sshll.u32 s9, $0x3;
	s29 =	sshll.u32 s9, $0xD  }
.Ltmp0:
0x8: {  	s5 =	ssub.s32 $0x2, s3;
	s8 =	sshll.u32 s3, $0x6;
	(pc) =	sbr.rel .LBB2_1-.Ltmp0, $4  }
0x9: {  	s9 =	simm.s32 $0x80;
	s6 =	sshrl.u32 s5, $0x1;
	s8 =	sadd.s32 s1, s8  }
0xa: {  	v0 =	vimm.f32 $0.0e+00;
	v1 =	vlaneseq.u32;
	_ =	strace $0x80000047;
	s6 =	ssub.s32 s5, s6;
	s30 =	sadd.s32 s29, s8  }
0xb: {  	v5 =	vimm.s32 $0x0;
	v6 =	vimm.f32 $-Inf;
	v7 =	vimm.s32 $0x100000;
	s4 =	sshll.u32 s3, $0x2;
	[dreg:$0x3] =	wrdreg s30;
	s31 =	smax.u32 s6, $0x1  }
0xc: {  	v2 =	vmul.u32 $0x80, v1;
	v3 =	vor.u32 $0x80000000, v1;
	v4 =	vmul.u32 $0x10, v1;
	s5 =	sor.u32 s4, s7;
	s7 =	sadd.s32 s0, s29;
	[dreg:$0x4] =	wrdreg s31  }
.LBB2_29:
0xd: {  	s3 =	simm.s32 $0x2  }
0xe: {  	_ =	swait.ge [sflag:s3], $0x2000  }
0xf: {  	s18 =	sadd.s32 $0x1, s18;
	s0 =	rddreg [dreg:$0x4]  }
0x10: {  	p0 =	sne.s32 s18, s0  }
.Ltmp1:
0x11: {  	_ = 	snop;
	(pc) =	sbr.rel @!p0 .LBB2_30-.Ltmp1, $3  }
0x12: {  	_ =	sdelay $0x1  }
0x13: {  	[sflag:s3] =	ssyncset.done $0x0  }
0x14: {  	[sflag:s3] =	ssyncadd.s32 $0xFFFFE000  }
.LBB2_1:
0x15: {  	s0 =	rddreg [dreg:$0x3];
	s19 =	simm.s32 $0x0;
	s21 =	simm.s32 $0x0  }
0x16: {  	[tilespmem:s2], [sflag:$0x1] =	stream.strided.gather [hbm4b:s0+s9], $0x2000, s10, s9, $0x38;
	[tilespmem:$0xCB00] =	vst v63  }
.LBB2_2:
0x17: {  	_ =	swait.ge [sflag:s11], $0x2000;
	s20 =	sadd.s32 $0x1, s21;
	p0 =	seq.s32 s21, $0x3  }
0x18: {  	s0 =	sshll.u32 s21, $0xD;
	s6 =	sadd.s32 s4, s21;
	s3 =	sadd.s32 @!p0 s20, s5  }
0x19: {  	[sflag:s11] =	ssyncset.done $0x0;
	s22 =	sshll.u32 @!p0 s20, $0xD;
	s8 =	sshll.u32 @!p0 s3, $0x4  }
0x1a: {  	s23 =	simm.s32 @!p0 $0x400;
	s3 =	sshll.u32 @!p0 s3, $0xA;
	s8 =	sand.u32 @!p0 $0x70, s8  }
0x1b: {  	[sflag:s11] =	ssyncadd.s32 $0xFFFFE000;
	s3 =	sand.u32 @!p0 $0x3E000, s3;
	s8 =	sadd.s32 @!p0 s1, s8  }
0x1c: {  	s22 =	sand.u32 @!p0 $0x2000, s22;
	s3 =	sadd.s32 @!p0 s3, s8;
	s8 =	simm.s32 @!p0 $0x80  }
0x1d: {  	[tilespmem:s22], [sflag:$0x1] =	stream.strided.gather @!p0 [hbm4b:s3+s8], $0x2000, s23, s8, $0x38;
	[tilespmem:$0xCB00] =	vst v63  }
0x1e: {  	s22 =	sand.u32 $0x2000, s0;
	s23 =	sshll.u32 s6, $0x4  }
0x1f: {  	s0 =	simm.s32 $0x0;
	s3 =	simm.s32 $0x0;
	s6 =	simm.s32 $0x200  }
.LBB2_3:
0x20: {  	p0 =	sne.s32 s6, $0xFE00;
	[tilespmem:s3+$0x8070] =	vst v0  }
0x21: {  	[tilespmem:s3+$0x8000] =	vst v0  }
0x22: {  	[tilespmem:s3+$0x8010] =	vst v0  }
.Ltmp2:
0x23: {  	[tilespmem:s3+$0x8020] =	vst v0;
	(pc) =	sbr.rel @p0 .LBB2_3-.Ltmp2, $4  }
0x24: {  	[tilespmem:s3+$0x8030] =	vst v0  }
0x25: {  	[tilespmem:s3+$0x8040] =	vst v0  }
0x26: {  	[tilespmem:s3+$0x8050] =	vst v0  }
0x27: {  	[tilespmem:s3+$0x8060] =	vst v0;
	s3 =	sshra.s32 s6, $0x2;
	s6 =	sadd.s32 $0x200, s6  }
0x28: {  	[tilespmem:s3+$0x8070] =	vst v0  }
0x29: {  	[tilespmem:s3+$0x8000] =	vst v0  }
0x2a: {  	[tilespmem:s3+$0x8010] =	vst v0  }
0x2b: {  	[tilespmem:s3+$0x8020] =	vst v0  }
0x2c: {  	[tilespmem:s3+$0x8030] =	vst v0  }
0x2d: {  	[tilespmem:s3+$0x8040] =	vst v0;
	s6 =	sadd.s32 $0x0, s19  }
0x2e: {  	[tilespmem:s3+$0x8050] =	vst v0;
	s0 =	sand.u32 $0x40, s0;
	s6 =	sand.u32 $0x3F80, s6  }
0x2f: {  	[tilespmem:s3+$0x8060] =	vst v0;
	s0 =	sor.u32 s0, s6  }
0x30: {  	v12 =	vld [tilespmem:s0+$0x0]  }
0x31: {  	v13 =	vld [tilespmem:s0+$0x10]  }
0x32: {  	v14 =	vld [tilespmem:s0+$0x20]  }
0x33: {  	s29 =	simm.s32 $0x40;
	s30 =	sadd.s32 $0x40, s19;
	v15 =	vld [tilespmem:s0+$0x30]  }
0x34: {  	s31 =	sand.u32 $0x3F80, s30;
	s3 =	sand.u32 $0x40, s29  }
0x35: {  	s3 =	sor.u32 s3, s31  }
0x36: {  	v9 =	vld [tilespmem:s3+$0x0]  }
0x37: {  	v10 =	vld [tilespmem:s3+$0x10]  }
0x38: {  	v8 =	vimm.f32 $-Inf;
	s0 =	simm.s32 $0x80;
	v11 =	vld [tilespmem:s3+$0x20];
	v12 =	vmax.f32 v12, v13;
	v13 =	vmax.f32 v14, v15  }
.LBB2_5:
0x39: {  	s6 =	sadd.s32 s0, s19;
	v14 =	vld [tilespmem:s3+$0x30];
	v13 =	vmax.f32 v12, v13;
	p0 =	sne.s32 s0, $0x1FC0  }
.Ltmp3:
0x3a: {  	s3 =	sand.u32 $0x3F80, s6;
	s6 =	sand.u32 $0x40, s0;
	v8 =	vmax.f32 v8, v13;
	(pc) =	sbr.rel @p0 .LBB2_5-.Ltmp3, $4  }
0x3b: {  	s3 =	sor.u32 s6, s3;
	v12 =	vmov v9  }
0x3c: {  	s0 =	sadd.s32 $0x40, s0;
	v9 =	vld [tilespmem:s3+$0x0];
	v13 =	vmov v10  }
0x3d: {  	v10 =	vld [tilespmem:s3+$0x10]  }
0x3e: {  	v12 =	vmax.f32 v12, v13;
	v13 =	vmax.f32 v11, v14;
	v11 =	vld [tilespmem:s3+$0x20]  }
0x3f: {  	v14 =	vld [tilespmem:s3+$0x30];
	_ =	sdelay $0x4  }
0x40: {  	v12 =	vmax.f32 v12, v13;
	v9 =	vmax.f32 v9, v10;
	v10 =	vmax.f32 v11, v14  }
0x41: {  	v8 =	vmax.f32 v8, v12;
	v9 =	vmax.f32 v9, v10  }
0x42: {  	v8 =	vmax.f32 v8, v9  }
0x43: {  	(xrf0) =	vmax.scan.msk.f32 $0xffff, v8;
	_ =	sdelay $0x3  }
0x44: {  	v10 =	vimm.f32 $0.0e+00  }
0x45: {  	[tilespmem:$0xC000] =	vst v10  }
0x46: {  	[tilespmem:$0xC080] =	vst v10;
	v8, _, _ =	vpop (xrf0)  }
0x47: {  	[tilespmem:$0xC100] =	vst v10;
	(v2sf) =	vpush v8, $0xF  }
0x48: {  	[tilespmem:$0xC180] =	vst v10  }
0x49: {  	[tilespmem:$0xC200] =	vst v10  }
0x4a: {  	[tilespmem:$0xC280] =	vst v10  }
0x4b: {  	[tilespmem:$0xC300] =	vst v10  }
0x4c: {  	[tilespmem:$0xC380] =	vst v10  }
0x4d: {  	[tilespmem:$0xC400] =	vst v10  }
0x4e: {  	[tilespmem:$0xC480] =	vst v10  }
0x4f: {  	[tilespmem:$0xC500] =	vst v10  }
0x50: {  	[tilespmem:$0xC580] =	vst v10  }
0x51: {  	[tilespmem:$0xC600] =	vst v10  }
0x52: {  	s0 =	simm.s32 $0x0;
	s28 =	sadd.s32 $0x0, s19;
	[tilespmem:$0xC680] =	vst v10  }
0x53: {  	s3 =	sand.u32 $0x3F80, s28;
	s0 =	sand.u32 $0x40, s0;
	[tilespmem:$0xC700] =	vst v10  }
0x54: {  	s0 =	sor.u32 s0, s3;
	[tilespmem:$0xC780] =	vst v10  }
0x55: {  	v11 =	vld [tilespmem:s0+$0x0]  }
0x56: {  	s29 =	spop (v2sf)  }
0x57: {  	s24 =	sadd.f32 $-1.150000000e+01, s29;
	_ =	sdelay $0x1  }
0x58: {  	v9 =	vmov s24  }
0x59: {  	v8 =	vbroadcast v8, $0xF;
	v12 =	vsub.f32 v11, v9;
	_ =	sdelay $0x1  }
0x5a: {  	v11 =	vsub.f32 v11, v8;
	v12 =	vmul.f32 $8.904347990e+01, v12;
	_ =	sdelay $0x1  }
0x5b: {  	v11 =	vmul.f32 $1.442695020e+00, v11;
	v12 =	vtrunc.f32 v12  }
0x5c: {  	v12 =	vcvt.f32.s32 v12  }
0x5d: {  	(erf) = vpow2.f32 v11  }
0x5e: {  	vm0 =	vgt.s32 v12, $0x0  }
0x5f: {  	v11 =	vnsel vm0, $0x0, v12  }
0x60: {  	v11 =	vmin.u32 v11, $0x3FF  }
0x61: {  	v12 =	vshll.u32 v11, $0x4  }
0x62: {  	v11 =	vshrl.u32 v11, $0x6;
	v12 =	vor.u32 v1, v12  }
0x63: {  	v11 =	vor.u32 v2, v11;
	_ =	sdelay $0x2  }
0x64: {  	v13 =	vpop (erf)  }
0x65: {  	[tilespmem:v12+s12+$0x0] =	vst.idx.add.f32.msk $0xffff, v13  }
0x66: {  	[tilespmem:v11+s13+$0x0] =	vst.idx.add.f32.msk $0xffff, v13  }
0x67: {  	v11 =	vld [tilespmem:s0+$0x10];
	_ =	sdelay $0x4  }
0x68: {  	v12 =	vsub.f32 v11, v9;
	_ =	sdelay $0x1  }
0x69: {  	v11 =	vsub.f32 v11, v8;
	v12 =	vmul.f32 $8.904347990e+01, v12;
	_ =	sdelay $0x1  }
0x6a: {  	v11 =	vmul.f32 $1.442695020e+00, v11;
	v12 =	vtrunc.f32 v12  }
0x6b: {  	v12 =	vcvt.f32.s32 v12  }
0x6c: {  	(erf) = vpow2.f32 v11  }
0x6d: {  	vm13 =	vgt.s32 v12, $0x0  }
0x6e: {  	v11 =	vnsel vm13, $0x0, v12  }
0x6f: {  	v11 =	vmin.u32 v11, $0x3FF  }
0x70: {  	v12 =	vshll.u32 v11, $0x4  }
0x71: {  	v11 =	vshrl.u32 v11, $0x6;
	v12 =	vor.u32 v1, v12  }
0x72: {  	v11 =	vor.u32 v2, v11;
	_ =	sdelay $0x2  }
0x73: {  	v14 =	vpop (erf)  }
0x74: {  	[tilespmem:v12+s12+$0x0] =	vst.idx.add.f32.msk $0xffff, v14  }
0x75: {  	[tilespmem:v11+s13+$0x0] =	vst.idx.add.f32.msk $0xffff, v14  }
0x76: {  	v11 =	vld [tilespmem:s0+$0x20];
	_ =	sdelay $0x4  }
0x77: {  	v12 =	vsub.f32 v11, v9;
	_ =	sdelay $0x1  }
0x78: {  	v11 =	vsub.f32 v11, v8;
	v12 =	vmul.f32 $8.904347990e+01, v12;
	_ =	sdelay $0x1  }
0x79: {  	v11 =	vmul.f32 $1.442695020e+00, v11;
	v12 =	vtrunc.f32 v12  }
0x7a: {  	v12 =	vcvt.f32.s32 v12  }
0x7b: {  	(erf) = vpow2.f32 v11  }
0x7c: {  	vm14 =	vgt.s32 v12, $0x0  }
0x7d: {  	v11 =	vnsel vm14, $0x0, v12  }
0x7e: {  	v11 =	vmin.u32 v11, $0x3FF  }
0x7f: {  	v12 =	vshll.u32 v11, $0x4  }
0x80: {  	v11 =	vshrl.u32 v11, $0x6;
	v12 =	vor.u32 v1, v12  }
0x81: {  	v11 =	vor.u32 v2, v11;
	_ =	sdelay $0x2  }
0x82: {  	v15 =	vpop (erf)  }
0x83: {  	[tilespmem:v12+s12+$0x0] =	vst.idx.add.f32.msk $0xffff, v15  }
0x84: {  	[tilespmem:v11+s13+$0x0] =	vst.idx.add.f32.msk $0xffff, v15  }
0x85: {  	v11 =	vld [tilespmem:s0+$0x30];
	_ =	sdelay $0x4  }
0x86: {  	v12 =	vsub.f32 v11, v9;
	_ =	sdelay $0x1  }
0x87: {  	v11 =	vsub.f32 v11, v8;
	v12 =	vmul.f32 $8.904347990e+01, v12;
	_ =	sdelay $0x1  }
0x88: {  	v11 =	vmul.f32 $1.442695020e+00, v11;
	v12 =	vtrunc.f32 v12  }
0x89: {  	v12 =	vcvt.f32.s32 v12  }
0x8a: {  	(erf) = vpow2.f32 v11  }
0x8b: {  	vm15 =	vgt.s32 v12, $0x0  }
0x8c: {  	v11 =	vnsel vm15, $0x0, v12  }
0x8d: {  	v11 =	vmin.u32 v11, $0x3FF  }
0x8e: {  	v10 =	vadd.f32 v13, v10;
	v12 =	vshll.u32 v11, $0x4  }
0x8f: {  	v13 =	vor.u32 v1, v12  }
0x90: {  	v10 =	vadd.f32 v14, v10;
	v11 =	vshrl.u32 v11, $0x6  }
0x91: {  	v11 =	vor.u32 v2, v11  }
0x92: {  	v10 =	vadd.f32 v15, v10  }
0x93: {  	s30 =	simm.s32 $0x40;
	s31 =	sadd.s32 $0x40, s19;
	v12 =	vpop (erf)  }
0x94: {  	s25 =	simm.s32 $0x80;
	s3 =	sand.u32 $0x40, s30;
	s0 =	sand.u32 $0x3F80, s31;
	v10 =	vadd.f32 v12, v10;
	[tilespmem:v13+s12+$0x0] =	vst.idx.add.f32.msk $0xffff, v12  }
.LBB2_7:
0x95: {  	p0 =	sne.s32 s25, $0x1FC0  }
0x96: {  	s28 =	sor.u32 s3, s0;
	[tilespmem:v11+s13+$0x0] =	vst.idx.add.f32.msk $0xffff, v12;
	s26 =	smov.u32 s25;
	s25 =	sadd.s32 $0x40, s25  }
0x97: {  	v11 =	vld [tilespmem:s28+$0x0];
	_ =	sdelay $0x4  }
0x98: {  	v12 =	vsub.f32 v11, v8;
	v11 =	vsub.f32 v11, v9;
	_ =	sdelay $0x1  }
0x99: {  	v12 =	vmul.f32 $1.442695020e+00, v12;
	v11 =	vmul.f32 $8.904347990e+01, v11;
	_ =	sdelay $0x1  }
0x9a: {  	v11 =	vtrunc.f32 v11  }
0x9b: {  	v11 =	vcvt.f32.s32 v11  }
0x9c: {  	(erf) = vpow2.f32 v12  }
0x9d: {  	vm0 =	vgt.s32 v11, $0x0  }
0x9e: {  	v11 =	vnsel vm0, $0x0, v11  }
0x9f: {  	v11 =	vmin.u32 v11, $0x3FF  }
0xa0: {  	v12 =	vshll.u32 v11, $0x4;
	v11 =	vshrl.u32 v11, $0x6  }
0xa1: {  	v12 =	vor.u32 v1, v12  }
0xa2: {  	v11 =	vor.u32 v2, v11;
	_ =	sdelay $0x2  }
0xa3: {  	v13 =	vpop (erf)  }
0xa4: {  	[tilespmem:v12+s12+$0x0] =	vst.idx.add.f32.msk $0xffff, v13  }
0xa5: {  	[tilespmem:v11+s13+$0x0] =	vst.idx.add.f32.msk $0xffff, v13  }
0xa6: {  	v11 =	vld [tilespmem:s28+$0x10];
	_ =	sdelay $0x4  }
0xa7: {  	v12 =	vsub.f32 v11, v8;
	v11 =	vsub.f32 v11, v9;
	_ =	sdelay $0x1  }
0xa8: {  	v12 =	vmul.f32 $1.442695020e+00, v12;
	v11 =	vmul.f32 $8.904347990e+01, v11;
	_ =	sdelay $0x1  }
0xa9: {  	v11 =	vtrunc.f32 v11  }
0xaa: {  	v11 =	vcvt.f32.s32 v11  }
0xab: {  	(erf) = vpow2.f32 v12  }
0xac: {  	vm0 =	vgt.s32 v11, $0x0  }
0xad: {  	v11 =	vnsel vm0, $0x0, v11  }
0xae: {  	v11 =	vmin.u32 v11, $0x3FF  }
0xaf: {  	v12 =	vshll.u32 v11, $0x4;
	v11 =	vshrl.u32 v11, $0x6  }
0xb0: {  	v12 =	vor.u32 v1, v12  }
0xb1: {  	v11 =	vor.u32 v2, v11;
	_ =	sdelay $0x2  }
0xb2: {  	v14 =	vpop (erf)  }
0xb3: {  	[tilespmem:v12+s12+$0x0] =	vst.idx.add.f32.msk $0xffff, v14  }
0xb4: {  	[tilespmem:v11+s13+$0x0] =	vst.idx.add.f32.msk $0xffff, v14  }
0xb5: {  	v11 =	vld [tilespmem:s28+$0x20];
	_ =	sdelay $0x4  }
0xb6: {  	v12 =	vsub.f32 v11, v8;
	v11 =	vsub.f32 v11, v9;
	_ =	sdelay $0x1  }
0xb7: {  	v12 =	vmul.f32 $1.442695020e+00, v12;
	v11 =	vmul.f32 $8.904347990e+01, v11;
	_ =	sdelay $0x1  }
0xb8: {  	v11 =	vtrunc.f32 v11  }
0xb9: {  	v11 =	vcvt.f32.s32 v11  }
0xba: {  	(erf) = vpow2.f32 v12  }
0xbb: {  	vm0 =	vgt.s32 v11, $0x0  }
0xbc: {  	v11 =	vnsel vm0, $0x0, v11  }
0xbd: {  	v11 =	vmin.u32 v11, $0x3FF  }
0xbe: {  	v12 =	vshll.u32 v11, $0x4;
	v11 =	vshrl.u32 v11, $0x6  }
0xbf: {  	v12 =	vor.u32 v1, v12  }
0xc0: {  	v11 =	vor.u32 v2, v11;
	_ =	sdelay $0x2  }
0xc1: {  	v15 =	vpop (erf)  }
0xc2: {  	[tilespmem:v12+s12+$0x0] =	vst.idx.add.f32.msk $0xffff, v15  }
0xc3: {  	[tilespmem:v11+s13+$0x0] =	vst.idx.add.f32.msk $0xffff, v15  }
0xc4: {  	v11 =	vld [tilespmem:s28+$0x30];
	_ =	sdelay $0x4  }
0xc5: {  	v12 =	vsub.f32 v11, v8;
	v11 =	vsub.f32 v11, v9;
	_ =	sdelay $0x1  }
0xc6: {  	v12 =	vmul.f32 $1.442695020e+00, v12;
	v11 =	vmul.f32 $8.904347990e+01, v11;
	_ =	sdelay $0x1  }
0xc7: {  	v11 =	vtrunc.f32 v11  }
0xc8: {  	v11 =	vcvt.f32.s32 v11  }
0xc9: {  	(erf) = vpow2.f32 v12  }
0xca: {  	vm0 =	vgt.s32 v11, $0x0  }
0xcb: {  	v11 =	vnsel vm0, $0x0, v11  }
0xcc: {  	v11 =	vmin.u32 v11, $0x3FF  }
0xcd: {  	v10 =	vadd.f32 v13, v10;
	v12 =	vshll.u32 v11, $0x4;
	v11 =	vshrl.u32 v11, $0x6  }
0xce: {  	v13 =	vor.u32 v1, v12  }
.Ltmp4:
0xcf: {  	v10 =	vadd.f32 v14, v10;
	v11 =	vor.u32 v2, v11;
	(pc) =	sbr.rel @p0 .LBB2_7-.Ltmp4, $4  }
0xd0: {  	_ = 	snop  }
0xd1: {  	v10 =	vadd.f32 v15, v10  }
0xd2: {  	s0 =	sadd.s32 s26, s19;
	v12 =	vpop (erf)  }
0xd3: {  	s3 =	sand.u32 $0x40, s26;
	s0 =	sand.u32 $0x3F80, s0;
	[tilespmem:v13+s12+$0x0] =	vst.idx.add.f32.msk $0xffff, v12;
	v10 =	vadd.f32 v12, v10  }
0xd4: {  	_ =	sdelay $0x3  }
0xd5: {  	s0 =	sor.u32 s3, s0;
	[tilespmem:v11+s13+$0x0] =	vst.idx.add.f32.msk $0xffff, v12  }
0xd6: {  	v11 =	vld [tilespmem:s0+$0x0];
	_ =	sdelay $0x4  }
0xd7: {  	v41 =	vsub.f32 v11, v9;
	_ =	sdelay $0x1  }
0xd8: {  	v11 =	vsub.f32 v11, v8;
	v12 =	vmul.f32 $8.904347990e+01, v41;
	_ =	sdelay $0x1  }
0xd9: {  	v11 =	vmul.f32 $1.442695020e+00, v11;
	v12 =	vtrunc.f32 v12  }
0xda: {  	v12 =	vcvt.f32.s32 v12  }
0xdb: {  	(erf) = vpow2.f32 v11  }
0xdc: {  	vm0 =	vgt.s32 v12, $0x0  }
0xdd: {  	v11 =	vnsel vm0, $0x0, v12  }
0xde: {  	v11 =	vmin.u32 v11, $0x3FF  }
0xdf: {  	v42 =	vshll.u32 v11, $0x4  }
0xe0: {  	v11 =	vshrl.u32 v11, $0x6;
	v12 =	vor.u32 v1, v42  }
0xe1: {  	v11 =	vor.u32 v2, v11;
	_ =	sdelay $0x2  }
0xe2: {  	v13 =	vpop (erf)  }
0xe3: {  	[tilespmem:v12+s12+$0x0] =	vst.idx.add.f32.msk $0xffff, v13  }
0xe4: {  	[tilespmem:v11+s13+$0x0] =	vst.idx.add.f32.msk $0xffff, v13  }
0xe5: {  	v11 =	vld [tilespmem:s0+$0x10];
	_ =	sdelay $0x4  }
0xe6: {  	v43 =	vsub.f32 v11, v9;
	_ =	sdelay $0x1  }
0xe7: {  	v11 =	vsub.f32 v11, v8;
	v12 =	vmul.f32 $8.904347990e+01, v43;
	_ =	sdelay $0x1  }
0xe8: {  	v11 =	vmul.f32 $1.442695020e+00, v11;
	v12 =	vtrunc.f32 v12  }
0xe9: {  	v12 =	vcvt.f32.s32 v12  }
0xea: {  	(erf) = vpow2.f32 v11  }
0xeb: {  	vm11 =	vgt.s32 v12, $0x0  }
0xec: {  	v11 =	vnsel vm11, $0x0, v12  }
0xed: {  	v11 =	vmin.u32 v11, $0x3FF  }
0xee: {  	v44 =	vshll.u32 v11, $0x4  }
0xef: {  	v11 =	vshrl.u32 v11, $0x6;
	v12 =	vor.u32 v1, v44  }
0xf0: {  	v11 =	vor.u32 v2, v11;
	_ =	sdelay $0x2  }
0xf1: {  	v14 =	vpop (erf)  }
0xf2: {  	[tilespmem:v12+s12+$0x0] =	vst.idx.add.f32.msk $0xffff, v14  }
0xf3: {  	[tilespmem:v11+s13+$0x0] =	vst.idx.add.f32.msk $0xffff, v14  }
0xf4: {  	v11 =	vld [tilespmem:s0+$0x20];
	_ =	sdelay $0x4  }
0xf5: {  	v45 =	vsub.f32 v11, v9;
	_ =	sdelay $0x1  }
0xf6: {  	v11 =	vsub.f32 v11, v8;
	v12 =	vmul.f32 $8.904347990e+01, v45;
	_ =	sdelay $0x1  }
0xf7: {  	v11 =	vmul.f32 $1.442695020e+00, v11;
	v12 =	vtrunc.f32 v12  }
0xf8: {  	v12 =	vcvt.f32.s32 v12  }
0xf9: {  	(erf) = vpow2.f32 v11  }
0xfa: {  	vm12 =	vgt.s32 v12, $0x0  }
0xfb: {  	v11 =	vnsel vm12, $0x0, v12  }
0xfc: {  	v11 =	vmin.u32 v11, $0x3FF  }
0xfd: {  	v46 =	vshll.u32 v11, $0x4  }
0xfe: {  	v11 =	vshrl.u32 v11, $0x6;
	v12 =	vor.u32 v1, v46  }
0xff: {  	v11 =	vor.u32 v2, v11;
	_ =	sdelay $0x2  }
0x100: {  	v15 =	vpop (erf)  }
0x101: {  	[tilespmem:v12+s12+$0x0] =	vst.idx.add.f32.msk $0xffff, v15  }
0x102: {  	[tilespmem:v11+s13+$0x0] =	vst.idx.add.f32.msk $0xffff, v15  }
0x103: {  	v11 =	vld [tilespmem:s0+$0x30];
	_ =	sdelay $0x4  }
0x104: {  	v47 =	vsub.f32 v11, v9;
	_ =	sdelay $0x1  }
0x105: {  	v11 =	vsub.f32 v11, v8;
	v12 =	vmul.f32 $8.904347990e+01, v47;
	_ =	sdelay $0x1  }
0x106: {  	v11 =	vmul.f32 $1.442695020e+00, v11;
	v12 =	vtrunc.f32 v12  }
0x107: {  	v12 =	vcvt.f32.s32 v12  }
0x108: {  	(erf) = vpow2.f32 v11  }
0x109: {  	vm13 =	vgt.s32 v12, $0x0  }
0x10a: {  	v11 =	vnsel vm13, $0x0, v12  }
0x10b: {  	v11 =	vmin.u32 v11, $0x3FF  }
0x10c: {  	v48 =	vshll.u32 v11, $0x4  }
0x10d: {  	v11 =	vshrl.u32 v11, $0x6;
	v12 =	vor.u32 v1, v48  }
0x10e: {  	v11 =	vor.u32 v2, v11;
	_ =	sdelay $0x2  }
0x10f: {  	v16 =	vpop (erf)  }
0x110: {  	[tilespmem:v12+s12+$0x0] =	vst.idx.add.f32.msk $0xffff, v16  }
0x111: {  	[tilespmem:v11+s13+$0x0] =	vst.idx.add.f32.msk $0xffff, v16  }
0x112: {  	v11 =	vld [tilespmem:$0xC000];
	_ =	sdelay $0x1  }
0x113: {  	v12 =	vld [tilespmem:$0xC080];
	_ =	sdelay $0x1  }
0x114: {  	v17 =	vld [tilespmem:$0xC100]  }
0x115: {  	v11 =	vadd.f32 $0.0e+00, v11  }
0x116: {  	v18 =	vld [tilespmem:$0xC180]  }
0x117: {  	v11 =	vadd.f32 v12, v11  }
0x118: {  	v49 =	vld [tilespmem:$0xC200]  }
0x119: {  	v11 =	vadd.f32 v17, v11  }
0x11a: {  	v50 =	vld [tilespmem:$0xC280]  }
0x11b: {  	v11 =	vadd.f32 v18, v11  }
0x11c: {  	v51 =	vld [tilespmem:$0xC300]  }
0x11d: {  	v11 =	vadd.f32 v49, v11  }
0x11e: {  	v52 =	vld [tilespmem:$0xC380]  }
0x11f: {  	v11 =	vadd.f32 v50, v11  }
0x120: {  	v53 =	vld [tilespmem:$0xC400]  }
0x121: {  	v11 =	vadd.f32 v51, v11  }
0x122: {  	v54 =	vld [tilespmem:$0xC480]  }
0x123: {  	v11 =	vadd.f32 v52, v11  }
0x124: {  	v55 =	vld [tilespmem:$0xC500]  }
0x125: {  	v11 =	vadd.f32 v53, v11  }
0x126: {  	v56 =	vld [tilespmem:$0xC580]  }
0x127: {  	v11 =	vadd.f32 v54, v11  }
0x128: {  	v10 =	vadd.f32 v13, v10;
	v57 =	vld [tilespmem:$0xC600]  }
0x129: {  	v11 =	vadd.f32 v55, v11  }
0x12a: {  	v10 =	vadd.f32 v14, v10;
	v58 =	vld [tilespmem:$0xC680]  }
0x12b: {  	v11 =	vadd.f32 v56, v11  }
0x12c: {  	v10 =	vadd.f32 v15, v10;
	v59 =	vld [tilespmem:$0xC700]  }
0x12d: {  	v11 =	vadd.f32 v57, v11  }
0x12e: {  	v10 =	vadd.f32 v16, v10;
	v60 =	vld [tilespmem:$0xC780]  }
0x12f: {  	v11 =	vadd.f32 v58, v11  }
0x130: {  	(xrf2) =	vadd.scan.msk.f32 $0xffff, v10  }
0x131: {  	v10 =	vadd.f32 v59, v11;
	_ =	sdelay $0x1  }
0x132: {  	v10 =	vadd.f32 v60, v10;
	_ =	sdelay $0x1  }
0x133: {  	(xrf2) =	vadd.scan.msk.f32 $0xffff, v10;
	_ =	sdelay $0x4  }
0x134: {  	v11, _, _ =	vpop (xrf2)  }
0x135: {  	(v2sf) =	vpush v11, $0xF;
	_ =	sdelay $0x3  }
0x136: {  	v11, _, _ =	vpop (xrf2)  }
0x137: {  	(xrf0) =	vmax.scan.msk.f32 $0xffff, v11;
	_ =	sdelay $0x5  }
0x138: {  	v61, _, _ =	vpop (xrf0)  }
0x139: {  	v12 =	vbroadcast v61, $0xF;
	_ =	sdelay $0x1  }
0x13a: {  	v11 =	vsub.f32 v12, v11  }
0x13b: {  	s25 =	spop (v2sf)  }
0x13c: {  	s25 =	smul.f32 $8.999999760e-01, s25;
	v11 =	vadd.f32 v11, v10;
	_ =	sdelay $0x1  }
0x13d: {  	vm14 =	vge.f32 v11, s25  }
0x13e: {  	v62 =	vnsel vm14, $0x7FFFFFFF, v3  }
0x13f: {  	(xrf0) =	vmax.scan.msk.u32 $0xffff, v62;
	_ =	sdelay $0x5  }
0x140: {  	v12, _, _ =	vpop (xrf0)  }
0x141: {  	(v2sf) =	vpush v12, $0xF;
	_ =	sdelay $0xe  }
0x142: {  	s26 =	spop (v2sf)  }
0x143: {  	s30 =	sxor.u32 $0x80000000, s26  }
0x144: {  	v63 =	vmov s30  }
0x145: {  	vm15 =	veq.s32 v63, v1  }
0x146: {  	v11 =	vnsel vm15, $0x0, v11  }
0x147: {  	v10 =	vnsel vm15, $0x0, v10;
	(xrf2) =	vadd.scan.msk.f32 $0xffff, v11  }
0x148: {  	(xrf2) =	vadd.scan.msk.f32 $0xffff, v10;
	_ =	sdelay $0x8  }
0x149: {  	v10, _, _ =	vpop (xrf2)  }
0x14a: {  	(v2sf) =	vpush v10, $0xF;
	v10, _, _ =	vpop (xrf2)  }
0x14b: {  	(v2sf) =	vpush v10, $0xF;
	_ =	sdelay $0xd  }
0x14c: {  	s3 =	simm.s32 $0x0;
	p0 =	por $0x0, $0x0;
	s31 =	spop (v2sf)  }
0x14d: {  	s28 =	simm.s32 $0x0;
	s29 =	simm.s32 $0x0;
	s6 =	spop (v2sf)  }
0x14e: {  	s0 =	sshll.u32 s26, $0x6;
	s26 =	simm.f32 $0.0e+00;
	v10 =	vmov s25;
	s6 =	ssub.f32 s31, s6  }
.LBB2_9:
0x14f: {  	s8 =	sshll.u32 s29, $0x4  }
0x150: {  	s8 =	ssub.s32 s0, s8  }
0x151: {  	s30 =	sadd.s32 $0x30, s8  }
0x152: {  	s31 =	sshll.u32 s30, $0x4  }
0x153: {  	s17 =	sor.u32 s31, s3  }
0x154: {  	v12 =	vor.u32 s17, v4;
	_ =	sdelay $0x2  }
0x155: {  	s17 =	simm.s32 $0x1  }
0x156: {  	s17 =	sor.u32 s31, s17  }
0x157: {  	v11 =	vimm.f32 $0.0e+00;
	s8 =	simm.s32 $0x2;
	v13 =	vor.u32 s17, v4;
	v12 =	vld.idx.msk [tilespmem:v12+s12+$0x0], $0xffff  }
.LBB2_10:
0x158: {  	p1 =	sne.s32 s8, $0xF  }
.Ltmp5:
0x159: {  	_ = 	snop;
	(pc) =	sbr.rel @p1 .LBB2_10-.Ltmp5, $3  }
0x15a: {  	_ =	sdelay $0x1  }
0x15b: {  	s17 =	sor.u32 s31, s8;
	s8 =	sadd.s32 $0x1, s8;
	v11 =	vadd.f32 v12, v11;
	v12 =	vld.idx.msk [tilespmem:v13+s12+$0x0], $0xffff  }
0x15c: {  	v13 =	vor.u32 s17, v4  }
0x15d: {  	_ =	sdelay $0x3  }
0x15e: {  	v13 =	vld.idx.msk [tilespmem:v13+s12+$0x0], $0xffff;
	_ =	sdelay $0x2  }
0x15f: {  	v11 =	vadd.f32 v12, v11;
	_ =	sdelay $0x1  }
0x160: {  	v11 =	vadd.f32 v13, v11;
	_ =	sdelay $0x1  }
0x161: {  	(xrf2) =	vadd.scan.msk.f32 $0xffff, v11;
	_ =	sdelay $0x9  }
0x162: {  	v62, _, _ =	vpop (xrf2)  }
0x163: {  	(xrf0) =	vmax.scan.msk.f32 $0xffff, v62;
	_ =	sdelay $0x5  }
0x164: {  	v63, _, _ =	vpop (xrf0)  }
0x165: {  	v14 =	vbroadcast v63, $0xF;
	_ =	sdelay $0x1  }
0x166: {  	v14 =	vsub.f32 v14, v62;
	_ =	sdelay $0x1  }
0x167: {  	v11 =	vadd.f32 v14, v11;
	_ =	sdelay $0x1  }
0x168: {  	v11 =	vadd.f32 s6, v11;
	_ =	sdelay $0x1  }
0x169: {  	vm0 =	vge.f32 v11, v10  }
0x16a: {  	v11 =	vnsel vm0, $0x7FFFFFFF, v3  }
0x16b: {  	(xrf0) =	vmax.scan.msk.u32 $0xffff, v11;
	_ =	sdelay $0x5  }
0x16c: {  	(v2sf) =	vpush v63, $0xF;
	v11, _, _ =	vpop (xrf0)  }
0x16d: {  	(v2sf) =	vpush v11, $0xF;
	_ =	sdelay $0xd  }
0x16e: {  	s8 =	spop (v2sf)  }
0x16f: {  	s17 =	spop (v2sf)  }
0x170: {  	s31 =	sxor.u32 $0x80000000, s17  }
0x171: {  	v11 =	vmov s31  }
0x172: {  	vm15 =	veq.s32 v11, v1  }
0x173: {  	v11 =	vnsel vm15, $0x0, v62  }
0x174: {  	(xrf2) =	vadd.scan.msk.f32 $0xffff, v11;
	_ =	sdelay $0x9  }
0x175: {  	v11, _, _ =	vpop (xrf2)  }
0x176: {  	(v2sf) =	vpush v11, $0xF;
	_ =	sdelay $0xc  }
0x177: {  	p1 =	por !p0, !p0;
	p2 =	slt.s32 s17, $0x0  }
0x178: {  	s29 =	sadd.s32 $0x1, s29;
	p1 =	por !p2, !p1  }
0x179: {  	p0 =	por p0, p2;
	p2 =	seq.s32 s29, $0x4;
	s17 =	spop (v2sf)  }
.Ltmp6:
0x17a: {  	s17 =	ssub.f32 s8, s17;
	(pc) =	sbr.rel @!p2 .LBB2_9-.Ltmp6, $4  }
0x17b: {  	s8 =	sadd.f32 s8, s6  }
0x17c: {  	s17 =	sadd.f32 s17, s6  }
0x17d: {  	s30 =	sadd.s32 s30, s31;
	p1 =	por !p1, !p1;
	s8 =	smov.u32 @p0 s6  }
0x17e: {  	s28 =	smov.u32 @p1 s30;
	s6 =	smov.u32 s8;
	s26 =	smov.u32 @p1 s17  }
0x17f: {  	v12 =	vmov s28;
	v11 =	vimm.s32 $0x0;
	s0 =	simm.s32 $0x0  }
.LBB2_13:
0x180: {  	s3 =	sadd.s32 s0, s19  }
0x181: {  	s6 =	sand.u32 $0x40, s0;
	s3 =	sand.u32 $0x3F80, s3  }
0x182: {  	s3 =	sor.u32 s6, s3  }
0x183: {  	v13 =	vld [tilespmem:s3+$0x0];
	_ =	sdelay $0x4  }
0x184: {  	v13 =	vsub.f32 v13, v9;
	_ =	sdelay $0x1  }
0x185: {  	v13 =	vmul.f32 $8.904347990e+01, v13;
	_ =	sdelay $0x1  }
0x186: {  	v13 =	vtrunc.f32 v13  }
0x187: {  	v13 =	vcvt.f32.s32 v13;
	_ =	sdelay $0x1  }
0x188: {  	vm0 =	vgt.s32 v13, $0x0  }
0x189: {  	vm5 =	vlt.s32 v11, $0x1F;
	v13 =	vnsel vm0, $0x0, v13  }
0x18a: {  	v14 =	vnsel vm5, $0x1F, v11;
	v13 =	vmin.u32 v13, $0x3FF  }
0x18b: {  	vm6 =	veq.s32 v13, v12;
	v13 =	vshll.u32 v14, $0x4  }
0x18c: {  	v13 =	vor.u32 v1, v13;
	_ =	sdelay $0x3  }
0x18d: {  	v14 =	vor.u32 s0, v1  }
0x18e: {  	[tilespmem:v13+s14+$0x0] =	vst.idx.msk vm6, v14  }
0x18f: {  	v13 =	vld [tilespmem:s3+$0x10];
	_ =	sdelay $0x4  }
0x190: {  	v13 =	vsub.f32 v13, v9;
	_ =	sdelay $0x1  }
0x191: {  	v13 =	vmul.f32 $8.904347990e+01, v13;
	_ =	sdelay $0x1  }
0x192: {  	v13 =	vtrunc.f32 v13  }
0x193: {  	v13 =	vcvt.f32.s32 v13  }
0x194: {  	v14 =	vsel vm6, $0x1, v5  }
0x195: {  	v11 =	vadd.s32 v14, v11;
	vm7 =	vgt.s32 v13, $0x0  }
0x196: {  	vm8 =	vlt.s32 v11, $0x1F;
	v13 =	vnsel vm7, $0x0, v13  }
0x197: {  	v14 =	vnsel vm8, $0x1F, v11;
	v13 =	vmin.u32 v13, $0x3FF  }
0x198: {  	vm9 =	veq.s32 v13, v12;
	v13 =	vshll.u32 v14, $0x4  }
0x199: {  	v13 =	vor.u32 v1, v13;
	_ =	sdelay $0x2  }
0x19a: {  	s29 =	sadd.s32 $0x10, s0  }
0x19b: {  	v14 =	vor.u32 s29, v1  }
0x19c: {  	[tilespmem:v13+s14+$0x0] =	vst.idx.msk vm9, v14  }
0x19d: {  	v13 =	vld [tilespmem:s3+$0x20];
	_ =	sdelay $0x4  }
0x19e: {  	v13 =	vsub.f32 v13, v9;
	_ =	sdelay $0x1  }
0x19f: {  	v13 =	vmul.f32 $8.904347990e+01, v13;
	_ =	sdelay $0x1  }
0x1a0: {  	v13 =	vtrunc.f32 v13  }
0x1a1: {  	v13 =	vcvt.f32.s32 v13  }
0x1a2: {  	v14 =	vsel vm9, $0x1, v5  }
0x1a3: {  	v11 =	vadd.s32 v14, v11;
	vm10 =	vgt.s32 v13, $0x0  }
0x1a4: {  	vm11 =	vlt.s32 v11, $0x1F;
	v13 =	vnsel vm10, $0x0, v13  }
0x1a5: {  	v14 =	vnsel vm11, $0x1F, v11;
	v13 =	vmin.u32 v13, $0x3FF  }
0x1a6: {  	vm12 =	veq.s32 v13, v12;
	v13 =	vshll.u32 v14, $0x4  }
0x1a7: {  	v13 =	vor.u32 v1, v13;
	_ =	sdelay $0x2  }
0x1a8: {  	s30 =	sadd.s32 $0x20, s0  }
0x1a9: {  	v14 =	vor.u32 s30, v1  }
0x1aa: {  	[tilespmem:v13+s14+$0x0] =	vst.idx.msk vm12, v14  }
0x1ab: {  	v13 =	vld [tilespmem:s3+$0x30];
	_ =	sdelay $0x4  }
0x1ac: {  	v13 =	vsub.f32 v13, v9;
	_ =	sdelay $0x1  }
0x1ad: {  	v13 =	vmul.f32 $8.904347990e+01, v13;
	_ =	sdelay $0x1  }
0x1ae: {  	v13 =	vtrunc.f32 v13  }
0x1af: {  	v13 =	vcvt.f32.s32 v13  }
0x1b0: {  	v14 =	vsel vm12, $0x1, v5  }
0x1b1: {  	v11 =	vadd.s32 v14, v11;
	vm13 =	vgt.s32 v13, $0x0  }
0x1b2: {  	vm14 =	vlt.s32 v11, $0x1F;
	v13 =	vnsel vm13, $0x0, v13  }
0x1b3: {  	v14 =	vnsel vm14, $0x1F, v11;
	v13 =	vmin.u32 v13, $0x3FF  }
0x1b4: {  	vm15 =	veq.s32 v13, v12;
	v13 =	vshll.u32 v14, $0x4  }
0x1b5: {  	p0 =	sne.s32 s0, $0x1FC0;
	v13 =	vor.u32 v1, v13  }
.Ltmp7:
0x1b6: {  	_ = 	snop;
	(pc) =	sbr.rel @p0 .LBB2_13-.Ltmp7, $4  }
0x1b7: {  	_ = 	snop  }
0x1b8: {  	s31 =	sadd.s32 $0x30, s0  }
0x1b9: {  	v14 =	vor.u32 s31, v1;
	v15 =	vsel vm15, $0x1, v5  }
0x1ba: {  	s0 =	sadd.s32 $0x40, s0;
	v11 =	vadd.s32 v15, v11;
	[tilespmem:v13+s14+$0x0] =	vst.idx.msk vm15, v14  }
0x1bb: {  	v9 =	vxor.u32 $0x80000000, v11  }
0x1bc: {  	(xrf0) =	vmax.scan.msk.u32 $0xffff, v9;
	_ =	sdelay $0x5  }
0x1bd: {  	v9, _, _ =	vpop (xrf0)  }
0x1be: {  	(v2sf) =	vpush v9, $0xF;
	_ =	sdelay $0x6  }
0x1bf: {  	[tilespmem:$0xC000] =	vst v0  }
0x1c0: {  	[tilespmem:$0xC080] =	vst v0  }
0x1c1: {  	[tilespmem:$0xC100] =	vst v0  }
0x1c2: {  	[tilespmem:$0xC180] =	vst v0  }
0x1c3: {  	[tilespmem:$0xC200] =	vst v0  }
0x1c4: {  	[tilespmem:$0xC280] =	vst v0  }
0x1c5: {  	[tilespmem:$0xC300] =	vst v0  }
0x1c6: {  	[tilespmem:$0xC380] =	vst v0  }
0x1c7: {  	[tilespmem:$0xC400] =	vst v0;
	s0 =	scvt.s32.f32 s28;
	s3 =	spop (v2sf)  }
0x1c8: {  	[tilespmem:$0xC480] =	vst v0;
	s28 =	sxor.u32 $0x80000000, s3  }
0x1c9: {  	[tilespmem:$0xC500] =	vst v0;
	s0 =	smul.f32 $1.123046880e-02, s0;
	p0 =	slt.s32 s28, $0x1  }
.Ltmp8:
0x1ca: {  	[tilespmem:$0xC580] =	vst v0;
	(pc) =	sbr.rel @p0 .LBB2_17-.Ltmp8, $4  }
0x1cb: {  	[tilespmem:$0xC600] =	vst v0  }
0x1cc: {  	[tilespmem:$0xC680] =	vst v0;
	s0 =	sadd.f32 s0, s24  }
0x1cd: {  	[tilespmem:$0xC700] =	vst v0;
	p1 =	slt.s32 s28, $0x20  }
0x1ce: {  	[tilespmem:$0xC780] =	vst v0;
	v12 =	vmov s22;
	v9 =	vmov s0;
	s28 =	simm.s32 @!p1 $0x20  }
0x1cf: {  	s0 =	simm.s32 $0x0;
	s3 =	simm.s32 $0xC800  }
.LBB2_16:
0x1d0: {  	v13 =	vld [tilespmem:s3+$0x0];
	_ =	sdelay $0x4  }
0x1d1: {  	v13 =	vand.u32 $0x1FFF, v13  }
0x1d2: {  	v13 =	vor.u32 v12, v13;
	_ =	sdelay $0x4  }
0x1d3: {  	v13 =	vld.idx.msk [tilespmem:v13+s2+$0x0], $0xffff;
	_ =	sdelay $0x4  }
0x1d4: {  	v14 =	vsub.f32 v13, v9;
	_ =	sdelay $0x1  }
0x1d5: {  	v13 =	vsub.f32 v13, v8;
	v14 =	vmul.f32 $1.424695680e+03, v14;
	_ =	sdelay $0x1  }
0x1d6: {  	v13 =	vmul.f32 $1.442695020e+00, v13;
	v14 =	vtrunc.f32 v14  }
0x1d7: {  	v14 =	vcvt.f32.s32 v14  }
0x1d8: {  	(erf) = vpow2.f32 v13  }
0x1d9: {  	vm0 =	vgt.s32 v14, $0x0  }
0x1da: {  	v13 =	vnsel vm0, $0x0, v14  }
0x1db: {  	v13 =	vmin.u32 v13, $0xF  }
0x1dc: {  	vm15 =	vgt.s32 v11, s0;
	s0 =	sadd.s32 $0x1, s0;
	v13 =	vshll.u32 v13, $0x7  }
0x1dd: {  	p1 =	sne.s32 s28, s0;
	v13 =	vor.u32 v1, v13  }
.Ltmp9:
0x1de: {  	_ = 	snop;
	(pc) =	sbr.rel @p1 .LBB2_16-.Ltmp9, $3  }
0x1df: {  	_ =	sdelay $0x1  }
0x1e0: {  	v14 =	vpop (erf)  }
0x1e1: {  	s3 =	sadd.s32 $0x10, s3;
	[tilespmem:v13+s13+$0x0] =	vst.idx.add.f32.msk vm15, v14  }
.LBB2_17:
0x1e2: {  	s0 =	simm.s32 $0x0  }
0x1e3: {  	v13 =	vmov s0  }
0x1e4: {  	v13 =	vand.u32 $0x7F, v13  }
0x1e5: {  	v13 =	vbroadcast v13, $0x0;
	_ =	sdelay $0x1  }
0x1e6: {  	s31 =	simm.s32 $0x1;
	v14 =	vor.u32 v2, v13  }
0x1e7: {  	v13 =	vmov s31  }
0x1e8: {  	v13 =	vand.u32 $0x7F, v13  }
0x1e9: {  	v15 =	vbroadcast v13, $0x0;
	_ =	sdelay $0x1  }
0x1ea: {  	s0 =	simm.s32 $0x2;
	v13 =	vimm.f32 $0.0e+00;
	v15 =	vor.u32 v2, v15;
	v14 =	vld.idx.msk [tilespmem:v14+s13+$0x0], $0xffff  }
.LBB2_18:
0x1eb: {  	p1 =	sne.s32 s0, $0xF  }
.Ltmp10:
0x1ec: {  	v16 =	vmov s0;
	s0 =	sadd.s32 $0x1, s0;
	(pc) =	sbr.rel @p1 .LBB2_18-.Ltmp10, $4  }
0x1ed: {  	v16 =	vand.u32 $0x7F, v16  }
0x1ee: {  	v16 =	vbroadcast v16, $0x0  }
0x1ef: {  	v13 =	vadd.f32 v14, v13;
	v14 =	vld.idx.msk [tilespmem:v15+s13+$0x0], $0xffff  }
0x1f0: {  	v15 =	vor.u32 v2, v16  }
0x1f1: {  	_ =	sdelay $0x3  }
0x1f2: {  	v15 =	vld.idx.msk [tilespmem:v15+s13+$0x0], $0xffff;
	_ =	sdelay $0x2  }
0x1f3: {  	v13 =	vadd.f32 v14, v13;
	_ =	sdelay $0x1  }
0x1f4: {  	v13 =	vadd.f32 v15, v13;
	_ =	sdelay $0x1  }
0x1f5: {  	(xrf2) =	vadd.scan.msk.f32 $0xffff, v13;
	_ =	sdelay $0x9  }
0x1f6: {  	v14, _, _ =	vpop (xrf2)  }
0x1f7: {  	(xrf0) =	vmax.scan.msk.f32 $0xffff, v14;
	_ =	sdelay $0x5  }
0x1f8: {  	v15, _, _ =	vpop (xrf0)  }
0x1f9: {  	v16 =	vbroadcast v15, $0xF;
	_ =	sdelay $0x1  }
0x1fa: {  	v16 =	vsub.f32 v16, v14;
	_ =	sdelay $0x1  }
0x1fb: {  	v13 =	vadd.f32 v16, v13;
	_ =	sdelay $0x1  }
0x1fc: {  	v13 =	vadd.f32 s26, v13;
	_ =	sdelay $0x1  }
0x1fd: {  	vm0 =	vge.f32 v13, v10  }
0x1fe: {  	v13 =	vnsel vm0, $0x80000000, v3  }
0x1ff: {  	(xrf0) =	vmax.scan.msk.u32 $0xffff, v13;
	_ =	sdelay $0x5  }
0x200: {  	(v2sf) =	vpush v15, $0xF;
	v13, _, _ =	vpop (xrf0)  }
0x201: {  	(v2sf) =	vpush v13, $0xF;
	_ =	sdelay $0xd  }
0x202: {  	s24 =	spop (v2sf)  }
0x203: {  	s0 =	spop (v2sf)  }
0x204: {  	s0 =	sxor.u32 $0x80000000, s0  }
0x205: {  	v13 =	vmov s0  }
0x206: {  	vm15 =	veq.s32 v13, v1  }
0x207: {  	v14 =	vnsel vm15, $0x0, v14  }
0x208: {  	(xrf2) =	vadd.scan.msk.f32 $0xffff, v14;
	_ =	sdelay $0x9  }
0x209: {  	v14, _, _ =	vpop (xrf2)  }
0x20a: {  	(v2sf) =	vpush v14, $0xF;
	_ =	sdelay $0xa  }
.Ltmp11:
0x20b: {  	_ = 	snop;
	(pc) =	sbr.rel @p0 .LBB2_20-.Ltmp11, $4  }
0x20c: {  	[tilespmem:$0xCA00] =	vst v6  }
0x20d: {  	[tilespmem:$0xCA10] =	vst v6  }
0x20e: {  	[tilespmem:$0xCA80] =	vst v7  }
0x20f: {  	[tilespmem:$0xCA90] =	vst v7;
	s29 =	spop (v2sf)  }
0x210: {  	s0 =	simm.s32 $0xC800  }
0x211: {  	v14 =	vld [tilespmem:s0+$0x0]  }
0x212: {  	p1 =	sne.s32 s28, $0x1  }
.Ltmp12:
0x213: {  	_ = 	snop;
	(pc) =	sbr.rel @!p1 .LBB2_22-.Ltmp12, $3  }
0x214: {  	_ =	sdelay $0x1  }
0x215: {  	v14 =	vand.u32 $0x1FFF, v14  }
0x216: {  	s30 =	simm.s32 $0x0;
	s31 =	simm.s32 $0x1;
	p0 =	por $0x0, $0x0;
	v15 =	vor.u32 v12, v14  }
0x217: {  	_ =	sdelay $0x3  }
0x218: {  	v15 =	vld.idx.msk [tilespmem:v15+s2+$0x0], $0xffff;
	_ =	sdelay $0x4  }
0x219: {  	v16 =	vsub.f32 v15, v9;
	_ =	sdelay $0x1  }
0x21a: {  	v16 =	vmul.f32 $1.424695680e+03, v16;
	_ =	sdelay $0x1  }
0x21b: {  	v16 =	vtrunc.f32 v16  }
0x21c: {  	v16 =	vcvt.f32.s32 v16;
	_ =	sdelay $0x1  }
0x21d: {  	vm0 =	vgt.s32 v16, $0x0  }
0x21e: {  	v16 =	vnsel vm0, $0x0, v16  }
0x21f: {  	v16 =	vmin.u32 v16, $0xF  }
0x220: {  	vm14 =	vgt.s32 v11, s30;
	vm1 =	veq.s32 v16, v13  }
0x221: {  	vm0 =	vmand vm14, vm1  }
0x222: {  	v16 =	vsel vm0, $0x1, v5  }
0x223: {  	(xrf0) =	vadd.scan.msk.s32 $0xffff, v16;
	_ =	sdelay $0x4  }
0x224: {  	v17 =	vsel vm0, $0xFFFFFFFF, v5  }
0x225: {  	v17 =	vadd.s32 s30, v17;
	v16, _, _ =	vpop (xrf0)  }
0x226: {  	(v2sf) =	vpush v16, $0xF;
	v16 =	vadd.s32 v16, v17  }
0x227: {  	vm15 =	vlt.s32 v16, $0x1F  }
0x228: {  	v16 =	vnsel vm15, $0x1F, v16;
	_ =	sdelay $0x4  }
0x229: {  	[tilespmem:v16+s15+$0x0] =	vst.idx.msk vm0, v15  }
0x22a: {  	s3 =	simm.s32 $0xC810;
	[tilespmem:v16+s16+$0x0] =	vst.idx.msk vm0, v14  }
0x22b: {  	v14 =	vld [tilespmem:s3+$0x0];
	_ =	sdelay $0x2  }
0x22c: {  	p1 =	sne.s32 s28, $0x2  }
.Ltmp13:
0x22d: {  	_ = 	snop;
	(pc) =	sbr.rel @!p1 .LBB2_25-.Ltmp13, $4  }
0x22e: {  	v14 =	vand.u32 $0x1FFF, v14  }
0x22f: {  	s0 =	spop (v2sf);
	v15 =	vor.u32 v12, v14  }
0x230: {  	s0 =	sadd.s32 $0x0, s0  }
0x231: {  	s6 =	simm.s32 $0x2;
	p0 =	por $0x1, $0x1;
	p2 =	slt.s32 s0, $0x10  }
.LBB2_24:
0x232: {  	s0 =	simm.s32 @!p2 $0x10;
	s8 =	smov.u32 s6;
	s6 =	sadd.s32 $0x1, s6  }
0x233: {  	p1 =	sne.s32 s28, s6  }
0x234: {  	v15 =	vld.idx.msk [tilespmem:v15+s2+$0x0], $0xffff;
	_ =	sdelay $0x5  }
0x235: {  	v16 =	vsub.f32 v15, v9;
	_ =	sdelay $0x1  }
0x236: {  	v16 =	vmul.f32 $1.424695680e+03, v16;
	_ =	sdelay $0x1  }
0x237: {  	v16 =	vtrunc.f32 v16  }
0x238: {  	v16 =	vcvt.f32.s32 v16;
	_ =	sdelay $0x1  }
0x239: {  	vm0 =	vgt.s32 v16, $0x0  }
0x23a: {  	v16 =	vnsel vm0, $0x0, v16  }
0x23b: {  	v16 =	vmin.u32 v16, $0xF  }
0x23c: {  	vm0 =	vgt.s32 v11, s31;
	s31 =	smov.u32 s8;
	vm1 =	veq.s32 v16, v13  }
0x23d: {  	vm0 =	vmand vm0, vm1  }
0x23e: {  	v16 =	vsel vm0, $0xFFFFFFFF, v5;
	v17 =	vsel vm0, $0x1, v5  }
0x23f: {  	(xrf0) =	vadd.scan.msk.s32 $0xffff, v17;
	_ =	sdelay $0x5  }
0x240: {  	v16 =	vadd.s32 s0, v16;
	v17, _, _ =	vpop (xrf0)  }
0x241: {  	v16 =	vadd.s32 v17, v16;
	(v2sf) =	vpush v17, $0xF  }
0x242: {  	vm1 =	vlt.s32 v16, $0x1F  }
0x243: {  	v16 =	vnsel vm1, $0x1F, v16;
	_ =	sdelay $0x4  }
0x244: {  	[tilespmem:v16+s15+$0x0] =	vst.idx.msk vm0, v15  }
0x245: {  	s3 =	sadd.s32 $0x10, s3;
	[tilespmem:v16+s16+$0x0] =	vst.idx.msk vm0, v14  }
0x246: {  	v14 =	vld [tilespmem:s3+$0x0];
	_ =	sdelay $0x3  }
.Ltmp14:
0x247: {  	(pc) =	sbr.rel @p1 .LBB2_24-.Ltmp14, $4  }
0x248: {  	v14 =	vand.u32 $0x1FFF, v14  }
0x249: {  	v15 =	vor.u32 v12, v14;
	s8 =	spop (v2sf)  }
0x24a: {  	s0 =	sadd.s32 s0, s8  }
0x24b: {  	p2 =	slt.s32 s0, $0x10  }
.LBB2_25:
0x24c: {  	_ =	sdelay $0x3  }
0x24d: {  	v12 =	vld.idx.msk [tilespmem:v15+s2+$0x0], $0xffff;
	_ =	sdelay $0x4  }
0x24e: {  	v9 =	vsub.f32 v12, v9;
	_ =	sdelay $0x1  }
0x24f: {  	v9 =	vmul.f32 $1.424695680e+03, v9;
	_ =	sdelay $0x1  }
0x250: {  	v9 =	vtrunc.f32 v9  }
0x251: {  	v9 =	vcvt.f32.s32 v9;
	_ =	sdelay $0x1  }
0x252: {  	vm0 =	vgt.s32 v9, $0x0  }
0x253: {  	v9 =	vnsel vm0, $0x0, v9  }
0x254: {  	v9 =	vmin.u32 v9, $0xF  }
0x255: {  	vm14 =	vgt.s32 v11, s31;
	vm1 =	veq.s32 v9, v13  }
0x256: {  	vm0 =	vmand vm14, vm1  }
0x257: {  	v9 =	vsel vm0, $0x1, v5  }
0x258: {  	(xrf0) =	vadd.scan.msk.s32 $0xffff, v9;
	_ =	sdelay $0x5  }
0x259: {  	v9, _, _ =	vpop (xrf0)  }
0x25a: {  	(v2sf) =	vpush v9, $0xF;
	_ =	sdelay $0x6  }
0x25b: {  	p1 =	por !p2, !p0  }
0x25c: {  	s0 =	simm.s32 @p1 $0x10  }
0x25d: {  	s30 =	smov.u32 @p0 s0;
	v11 =	vsel vm0, $0xFFFFFFFF, v5  }
0x25e: {  	v11 =	vadd.s32 s30, v11  }
0x25f: {  	v9 =	vadd.s32 v9, v11  }
0x260: {  	vm15 =	vlt.s32 v9, $0x1F  }
0x261: {  	v9 =	vnsel vm15, $0x1F, v9;
	_ =	sdelay $0x1  }
.Ltmp15:
0x262: {  	s31 =	spop (v2sf);
	(pc) =	sbr.rel .LBB2_26-.Ltmp15, $4  }
0x263: {  	s0 =	sadd.s32 s30, s31  }
0x264: {  	p0 =	slt.s32 s0, $0x10  }
0x265: {  	[tilespmem:v9+s15+$0x0] =	vst.idx.msk vm0, v12;
	s0 =	simm.s32 @!p0 $0x10  }
0x266: {  	[tilespmem:v9+s16+$0x0] =	vst.idx.msk vm0, v14;
	s0 =	sadd.s32 $0xFFFFFFFF, s0  }
.LBB2_20:
0x267: {  	s0 =	simm.s32 $0xFFFFFFFF  }
.LBB2_26:
0x268: {  	v9 =	vld [tilespmem:$0xCA00]  }
0x269: {  	v11 =	vld [tilespmem:$0xCA80];
	_ =	sdelay $0x4  }
0x26a: {  	(xrf1) =	vsort.dscd.msk.f32 $0xffff, v9, v11;
	_ =	sdelay $0xd  }
0x26b: {  	v11, v12, _ =	vpop (xrf1)  }
0x26c: {  	v9 =	vsub.f32 v11, v8;
	_ =	sdelay $0x1  }
0x26d: {  	v9 =	vmul.f32 $1.442695020e+00, v9;
	_ =	sdelay $0x1  }
0x26e: {  	(erf) = vpow2.f32 v9;
	_ =	sdelay $0x8  }
0x26f: {  	v9 =	vpop (erf)  }
0x270: {  	(xrf2) =	vadd.scan.msk.f32 $0xffff, v9;
	_ =	sdelay $0x6  }
0x271: {  	s3 =	ssub.f32 s24, s29;
	_ =	sdelay $0x1  }
0x272: {  	s3 =	sadd.f32 s3, s26  }
0x273: {  	v13, _, _ =	vpop (xrf2)  }
0x274: {  	v14 =	vadd.f32 s3, v13;
	_ =	sdelay $0x1  }
0x275: {  	vm0 =	vge.f32 v14, v10  }
0x276: {  	v10 =	vnsel vm0, $0x8000000F, v3  }
0x277: {  	(xrf0) =	vmin.scan.msk.u32 $0xffff, v10;
	_ =	sdelay $0x5  }
0x278: {  	v10, _, _ =	vpop (xrf0)  }
0x279: {  	(v2sf) =	vpush v10, $0xF;
	_ =	sdelay $0xe  }
0x27a: {  	s6 =	spop (v2sf)  }
0x27b: {  	s6 =	sxor.u32 $0x80000000, s6  }
0x27c: {  	p0 =	slt.s32 s6, s0  }
0x27d: {  	s0 =	smov.u32 @p0 s6  }
0x27e: {  	p0 =	sgt.s32 s0, $0x0  }
0x27f: {  	s0 =	simm.s32 @!p0 $0x0  }
0x280: {  	s0 =	smin.u32 s0, $0xF  }
0x281: {  	v10 =	vmov s0  }
0x282: {  	vm0 =	veq.s32 v10, v1  }
0x283: {  	v10 =	vnsel vm0, $0x0, v11  }
0x284: {  	(xrf2) =	vadd.scan.msk.f32 $0xffff, v10;
	_ =	sdelay $0x2  }
0x285: {  	v9 =	vsub.f32 v13, v9;
	_ =	sdelay $0x1  }
0x286: {  	v9 =	vnsel vm0, $0x0, v9  }
0x287: {  	(xrf2) =	vadd.scan.msk.f32 $0xffff, v9;
	_ =	sdelay $0x3  }
0x288: {  	v9, _, _ =	vpop (xrf2)  }
0x289: {  	v9 =	vbroadcast v9, $0xF;
	_ =	sdelay $0x1  }
0x28a: {  	v8 =	vsub.f32 v9, v8;
	_ =	sdelay $0x1  }
0x28b: {  	v8 =	vmul.f32 $1.442695020e+00, v8  }
0x28c: {  	v10, _, _ =	vpop (xrf2)  }
0x28d: {  	(v2sf) =	vpush v10, $0xF;
	(erf) = vpow2.f32 v8;
	_ =	sdelay $0x8  }
0x28e: {  	v8 =	vpop (erf)  }
0x28f: {  	(erf) = vrcp.f32 v8;
	_ =	sdelay $0x4  }
0x290: {  	s8 =	spop (v2sf)  }
0x291: {  	s0 =	sadd.f32 s8, s3;
	_ =	sdelay $0x1  }
0x292: {  	s0 =	ssub.f32 s25, s0  }
0x293: {  	v8 =	vpop (erf)  }
0x294: {  	v8 =	vmul.f32 s0, v8;
	_ =	sdelay $0x1  }
0x295: {  	(xrf0) =	vmax.scan.msk.f32 $0xffff, v8;
	_ =	sdelay $0x5  }
0x296: {  	v8, _, _ =	vpop (xrf0)  }
0x297: {  	(v2sf) =	vpush v8, $0xF;
	_ =	sdelay $0xd  }
0x298: {  	vm0 =	veq.f32 v11, v9  }
0x299: {  	v8 =	vnsel vm0, $0x100000, v12;
	s17 =	spop (v2sf)  }
0x29a: {  	v10 =	vxor.u32 $0x80000000, v8;
	s24 =	scvt.f32.s32 s17  }
0x29b: {  	(xrf1) =	vsort.ascd.msk.u32 $0xffff, v10, v8  }
0x29c: {  	s3 =	scvt.s32.f32 s24;
	_ =	sdelay $0x1  }
0x29d: {  	p0 =	sgt.f32 s17, s3  }
0x29e: {  	s0 =	simm.f32 $1.000000000e+00  }
0x29f: {  	s0 =	simm.s32 @!p0 $0x0  }
0x2a0: {  	s0 =	sadd.f32 s0, s3;
	_ =	sdelay $0x1  }
0x2a1: {  	s0 =	scvt.f32.s32 s0;
	_ =	sdelay $0x1  }
0x2a2: {  	s0 =	sadd.s32 $0xFFFFFFFF, s0  }
0x2a3: {  	p0 =	sgt.s32 s0, $0x0  }
0x2a4: {  	s0 =	simm.s32 @!p0 $0x0  }
0x2a5: {  	s0 =	smin.u32 s0, $0xF  }
0x2a6: {  	v8, _, _ =	vpop (xrf1);
	v10 =	vmov s0  }
0x2a7: {  	v8 =	vxor.u32 $0x80000000, v8;
	vm0 =	veq.s32 v10, v1  }
0x2a8: {  	v8 =	vnsel vm0, $0x0, v8  }
0x2a9: {  	(xrf0) =	vadd.scan.msk.s32 $0xffff, v8  }
0x2aa: {  	s26 =	sadd.s32 $0x0, s19;
	s25 =	simm.s32 $0x0  }
0x2ab: {  	s28 =	sand.u32 $0x40, s25;
	s3 =	sand.u32 $0x3F80, s26  }
0x2ac: {  	s24 =	sor.u32 s28, s3  }
0x2ad: {  	v13 =	vld [tilespmem:s24+$0x30]  }
0x2ae: {  	v11 =	vld [tilespmem:s24+$0x0]  }
0x2af: {  	v8, _, _ =	vpop (xrf0)  }
0x2b0: {  	v8 =	vbroadcast v8, $0xF  }
0x2b1: {  	s31 =	simm.s32 $0x30;
	v12 =	vor.u32 s25, v1;
	v10 =	vld [tilespmem:s24+$0x10]  }
0x2b2: {  	s29 =	simm.s32 $0x10;
	v15 =	vor.u32 s31, v1;
	vm3 =	vle.s32 v12, v8;
	v12 =	vld [tilespmem:s24+$0x20]  }
0x2b3: {  	v14 =	vor.u32 s29, v1;
	vm2 =	veq.f32 v13, v9;
	vm5 =	veq.f32 v11, v9  }
0x2b4: {  	s30 =	simm.s32 $0x20;
	vm6 =	vgt.f32 v13, v9;
	v13 =	vmax.f32 v13, $0.0e+00;
	vm4 =	vle.s32 v15, v8  }
0x2b5: {  	vm0 =	vle.s32 v14, v8;
	v14 =	vor.u32 s30, v1;
	vm4 =	vmand vm4, vm2  }
0x2b6: {  	vm1 =	vle.s32 v14, v8;
	vm2 =	veq.f32 v10, v9;
	vm6 =	vmor vm6, vm4  }
0x2b7: {  	s6 =	sadd.s32 $0x40, s19;
	s3 =	simm.s32 $0x80;
	s0 =	simm.s32 $0x40;
	vm3 =	vmand vm3, vm5;
	v13 =	vnsel vm6, $0x0, v13;
	vm4 =	veq.f32 v12, v9  }
.LBB2_27:
0x2b8: {  	p0 =	sne.s32 s3, $0x1FC0;
	s6 =	sand.u32 $0x3F80, s6;
	s8 =	sand.u32 $0x40, s0;
	vm5 =	vgt.f32 v11, v9;
	vm0 =	vmand vm0, vm2;
	vm1 =	vmand vm1, vm4;
	[tilespmem:s24+$0x4030] =	vst v13  }
0x2b9: {  	vm4 =	vgt.f32 v12, v9;
	s6 =	sor.u32 s8, s6;
	vm2 =	vmor vm5, vm3;
	vm3 =	vgt.f32 v10, v9  }
0x2ba: {  	v14 =	vmax.f32 v11, $0.0e+00;
	vm1 =	vmor vm4, vm1;
	v13 =	vld [tilespmem:s6+$0x30];
	vm0 =	vmor vm3, vm0  }
0x2bb: {  	v15 =	vmax.f32 v10, $0.0e+00;
	v12 =	vmax.f32 v12, $0.0e+00;
	v14 =	vnsel vm2, $0x0, v14;
	v11 =	vld [tilespmem:s6+$0x0]  }
0x2bc: {  	v16 =	vor.u32 s0, v1;
	s8 =	sadd.s32 $0x10, s0;
	v10 =	vld [tilespmem:s6+$0x10];
	[tilespmem:s24+$0x4000] =	vst v14;
	v14 =	vnsel vm0, $0x0, v15;
	v15 =	vnsel vm1, $0x0, v12  }
0x2bd: {  	s17 =	sadd.s32 $0x30, s0;
	vm3 =	vle.s32 v16, v8;
	v16 =	vor.u32 s8, v1;
	s8 =	sadd.s32 $0x20, s0;
	s0 =	smov.u32 s3;
	v12 =	vld [tilespmem:s6+$0x20];
	[tilespmem:s24+$0x4010] =	vst v14  }
.Ltmp16:
0x2be: {  	vm0 =	vle.s32 v16, v8;
	v16 =	vor.u32 s17, v1;
	v14 =	vor.u32 s8, v1;
	[tilespmem:s24+$0x4020] =	vst v15;
	s24 =	smov.u32 s6;
	(pc) =	sbr.rel @p0 .LBB2_27-.Ltmp16, $4  }
0x2bf: {  	vm4 =	vle.s32 v16, v8;
	vm1 =	vle.s32 v14, v8;
	vm2 =	veq.f32 v13, v9  }
0x2c0: {  	vm6 =	vgt.f32 v13, v9;
	vm5 =	veq.f32 v11, v9;
	vm4 =	vmand vm4, vm2  }
0x2c1: {  	v13 =	vmax.f32 v13, $0.0e+00;
	vm2 =	veq.f32 v10, v9;
	vm6 =	vmor vm6, vm4  }
0x2c2: {  	s3 =	sadd.s32 $0x40, s3;
	s6 =	sadd.s32 s0, s19;
	vm3 =	vmand vm3, vm5;
	vm4 =	veq.f32 v12, v9;
	v13 =	vnsel vm6, $0x0, v13  }
0x2c3: {  	s3 =	sand.u32 $0x3F80, s6;
	s25 =	sand.u32 $0x40, s0  }
0x2c4: {  	vm5 =	vgt.f32 v11, v9;
	vm0 =	vmand vm0, vm2;
	vm1 =	vmand vm1, vm4;
	[tilespmem:s24+$0x4030] =	vst v13;
	s3 =	sor.u32 s25, s3  }
0x2c5: {  	vm9 =	vgt.f32 v10, v9;
	vm10 =	vgt.f32 v12, v9;
	v53 =	vmax.f32 v11, $0.0e+00;
	v13 =	vld [tilespmem:s3+$0x30]  }
0x2c6: {  	v54 =	vmax.f32 v10, $0.0e+00;
	v55 =	vmax.f32 v12, $0.0e+00;
	v16 =	vor.u32 s0, v1;
	v14 =	vld [tilespmem:s3+$0x0]  }
0x2c7: {  	s26 =	sadd.s32 $0x10, s0;
	vm8 =	vmor vm5, vm3;
	vm0 =	vmor vm9, vm0;
	vm1 =	vmor vm10, vm1;
	v15 =	vld [tilespmem:s3+$0x10]  }
0x2c8: {  	s28 =	sadd.s32 $0x30, s0;
	s29 =	sadd.s32 $0x20, s0;
	v56 =	vor.u32 s26, v1;
	vm11 =	vle.s32 v16, v8;
	v11 =	vnsel vm8, $0x0, v53  }
0x2c9: {  	v58 =	vor.u32 s28, v1;
	v59 =	vor.u32 s29, v1;
	v10 =	vnsel vm0, $0x0, v54;
	[tilespmem:s24+$0x4000] =	vst v11  }
0x2ca: {  	vm2 =	vle.s32 v56, v8;
	v12 =	vnsel vm1, $0x0, v55;
	vm13 =	vle.s32 v58, v8;
	v57 =	vld [tilespmem:s3+$0x20]  }
0x2cb: {  	vm15 =	vle.s32 v59, v8;
	vm12 =	veq.f32 v13, v9;
	vm14 =	vgt.f32 v13, v9  }
0x2cc: {  	vm8 =	veq.f32 v14, v9;
	vm9 =	veq.f32 v15, v9;
	v8 =	vmax.f32 v13, $0.0e+00  }
0x2cd: {  	v60 =	vmax.f32 v14, $0.0e+00;
	v61 =	vmax.f32 v15, $0.0e+00;
	vm1 =	vmand vm13, vm12  }
0x2ce: {  	vm0 =	vmand vm11, vm8;
	vm11 =	vgt.f32 v14, v9;
	vm2 =	vmand vm2, vm9  }
0x2cf: {  	[tilespmem:s24+$0x4010] =	vst v10;
	vm13 =	vgt.f32 v15, v9;
	vm1 =	vmor vm14, vm1;
	vm10 =	veq.f32 v57, v9  }
0x2d0: {  	[tilespmem:s24+$0x4020] =	vst v12;
	vm0 =	vmor vm11, vm0;
	vm14 =	vgt.f32 v57, v9;
	v8 =	vnsel vm1, $0x0, v8  }
0x2d1: {  	vm12 =	vmand vm15, vm10;
	vm1 =	vmor vm13, vm2;
	[tilespmem:s3+$0x4030] =	vst v8;
	v8 =	vnsel vm0, $0x0, v60  }
0x2d2: {  	v62 =	vmax.f32 v57, $0.0e+00;
	vm15 =	vmor vm14, vm12;
	[tilespmem:s3+$0x4000] =	vst v8;
	v8 =	vnsel vm1, $0x0, v61  }
0x2d3: {  	p0 =	seq.s32 s21, $0x0;
	v63 =	vnsel vm15, $0x0, v62;
	[tilespmem:s3+$0x4010] =	vst v8  }
0x2d4: {  	s0 =	simm.s32 @!p0 $0x2;
	[tilespmem:s3+$0x4020] =	vst v63  }
0x2d5: {  	_ =	swait.ge @!p0 [sflag:s0], $0x2000  }
0x2d6: {  	[sflag:s0] =	ssyncset.done @!p0 $0x0  }
0x2d7: {  	[sflag:s0] =	ssyncadd.s32 @!p0 $0xFFFFE000;
	p0 =	sne.s32 s20, $0x4  }
.Ltmp17:
0x2d8: {  	_ = 	snop;
	(pc) =	sbr.rel @p0 .LBB2_2-.Ltmp17, $4  }
.Ltmp18:
0x2d9: {  	_ = 	snop;
	(pc) =	sbr.rel @!p0 .LBB2_29-.Ltmp18, $4  }
0x2da: {  	s30 =	sadd.s32 s23, s7  }
0x2db: {  	s31 =	sor.u32 $0x4000, s22;
	s19 =	sadd.s32 $0x2000, s19;
	s21 =	smov.u32 s20  }
0x2dc: {  	[hbm4b:s30+s9] =	stream.strided.scatter [tilespmem:s31], [sflag:$0x2], $0x2000, s10, s9, $0x38;
	[tilespmem:$0xCB00] =	vst v63  }
0x2dd: {  	_ = 	snop  }
.LBB2_22:
.Ltmp19:
0x2de: {  	(pc) =	sbr.rel .LBB2_25-.Ltmp19, $2  }
0x2df: {  	_ =	sdelay $0x2  }
0x2e0: {  	s31 =	simm.s32 $0x0  }
.LBB2_30:
0x2e1: {  	_ =	sfence.sel $0x180000  }
0x2e2: {  	[bflag:$0x0] =	sbarrier.arrive $0xFFFF  }
0x2e3: {  	_ =	strace $0x90000047  }
0x2e4: {  	s0 =	stileid.u32;
	[bflag:$0x2] =	sbarrier.arrive $0xFFFF  }
0x2e5: {  	p0 =	sne.s32 s0, $0x0;
	s0 =	rddreg [dreg:$0x2]  }
0x2e6: {  	s0 =	sadd.s32 @!p0 $0x100000, s0  }
0x2e7: {  	[sflag:s0] =	ssyncadd.tile.s32 @!p0 $0x1;
	_ =	shalt  }
.Lfunc_end2:
_tile_overlayer_lowered:
.L_overlay_start_2:
0x2e8: {  	(tag) =	ssettag $0x2  }
0x2e9: {  	s0 =	rddreg [dreg:$0x0];
	s2 =	stileid.u32  }
0x2ea: {  	s1 =	rddreg [dreg:$0x1];
	p0 =	sne.s32 s2, $0x0  }
0x2eb: {  	s3 =	rddreg [dreg:$0x2];
	[bflag:$0x3] =	sbarrier.arrive $0xFFFF;
	s2 =	simm.s32 @!p0 $0x1C03  }
0x2ec: {  	[timem:s3], [sflag:s2] =	dma.local @!p0 [hbm:s0], s1  }
0x2ed: {  	s0 =	simm.s32 @!p0 $0x3  }
0x2ee: {  	_ =	swait.ge @!p0 [sflag:s0], s1  }
0x2ef: {  	s1 =	ssub.s32 @!p0 $0x0, s1;
	[sflag:s0] =	ssyncset.done @!p0 $0x0  }
0x2f0: {  	[sflag:s0] =	ssyncadd.s32 @!p0 s1  }
0x2f1: {  	[bflag:$0x3] =	sbarrier.arrive $0xFFFF  }
0x2f2: {  	_ =	shalt  }

</sc_bundles>
